<compile_context>
chip_gen: v7x
topology: tpu7x:2x2x1
jax: 0.10.2.dev20260603
libtpu: 0.0.44.dev20260713+nightly
codegen_flags: <defaults>
</compile_context>

<pallas_src>
import functools

import jax
import jax.numpy as jnp
from jax import lax
from jax.experimental import pallas as pl
from jax.experimental.pallas import tpu as pltpu
from jax.experimental.pallas import tpu_sc as plsc

_N, _E, _D = 10000, 320000, 128
_K = 8000
_NC, _NS = 2, 16
_NW = _NC * _NS
_NPAD = 10240
_CH = 128
_EW = 10240
_NCHUNK = _EW // _CH
_EPAD = _NW * _EW
_RPS = _NPAD // _NS
_NR = _NPAD // 128
_BLK = 1024


def _make_sc_agg(interpret=False):
  mesh = plsc.VectorSubcoreMesh(
      core_axis_name="c", subcore_axis_name="s",
      num_cores=_NC, num_subcores=_NS)

  @functools.partial(
      pl.kernel,
      out_type=(
          jax.ShapeDtypeStruct((_NC, _NPAD, _D), jnp.float32),
          jax.ShapeDtypeStruct((_NW, _NPAD), jnp.float32),
      ),
      mesh=mesh,
      scratch_types=[
          pltpu.VMEM((_CH,), jnp.int32),
          pltpu.VMEM((_CH,), jnp.int32),
          pltpu.VMEM((_CH, _D), jnp.float32),
          pltpu.VMEM((_CH,), jnp.int32),
          pltpu.VMEM((_CH,), jnp.int32),
          pltpu.VMEM((_CH, _D), jnp.float32),
          pltpu.VMEM((_NPAD,), jnp.float32),
          pltpu.VMEM_SHARED((_NPAD, _D), jnp.float32),
          pltpu.SemaphoreType.DMA,
          pltpu.SemaphoreType.DMA,
      ],
      compiler_params=pltpu.CompilerParams(needs_layout_passes=False),
      interpret=interpret,
  )
  def sc_agg(x_hbm, src_hbm, dst_hbm, agg_hbm, cnt_hbm,
             srcv0, dstv0, rows0, srcv1, dstv1, rows1, cntl, acc,
             gsem0, gsem1):
    c = lax.axis_index("c")
    s = lax.axis_index("s")
    wid = s * _NC + c
    zero16 = jnp.zeros((16,), jnp.float32)
    one16 = jnp.ones((16,), jnp.float32)
    def zr(i, carry):
      for j in range(_D // 16):
        rows0[i, pl.ds(j * 16, 16)] = zero16
      return carry
    lax.fori_loop(0, _CH, zr, 0)

    def zc(i, carry):
      cntl[pl.ds(i * 16, 16)] = zero16
      return carry
    lax.fori_loop(0, _NPAD // 16, zc, 0)

    def za(i, carry):
      pltpu.sync_copy(rows0, acc.at[pl.ds(s * _RPS + i * _CH, _CH)])
      return carry
    lax.fori_loop(0, _RPS // _CH, za, 0)
    plsc.subcore_barrier()

    base = wid * _EW
    srcv = (srcv0, srcv1)
    dstv = (dstv0, dstv1)
    rowsb = (rows0, rows1)
    gsem = (gsem0, gsem1)

    def fetch_idx(ci, b):
      off = base + ci * _CH
      pltpu.sync_copy(src_hbm.at[pl.ds(off, _CH)], srcv[b])
      pltpu.sync_copy(dst_hbm.at[pl.ds(off, _CH)], dstv[b])

    def issue_gather(b):
      pltpu.async_copy(x_hbm.at[srcv[b]], rowsb[b], gsem[b])

    def drain_gather(b):
      pltpu.make_async_copy(x_hbm.at[srcv[b]], rowsb[b], gsem[b]).wait()

    def consume(b):
      pltpu.sync_copy(rowsb[b], acc.at[dstv[b]], add=True)
      for g in range(_CH // 16):
        d16 = dstv[b][pl.ds(g * 16, 16)]
        plsc.addupdate_scatter(cntl, [d16], one16)

    fetch_idx(0, 0)
    issue_gather(0)
    npair = _NCHUNK // 2

    def pair(p, carry):
      c0 = 2 * p
      fetch_idx(c0 + 1, 1)
      issue_gather(1)
      drain_gather(0)
      consume(0)

      @pl.when(p < npair - 1)
      def _():
        fetch_idx(c0 + 2, 0)
        issue_gather(0)
      drain_gather(1)
      consume(1)
      return carry
    lax.fori_loop(0, npair, pair, 0)
    plsc.subcore_barrier()

    pltpu.sync_copy(acc.at[pl.ds(s * _RPS, _RPS)],
                    agg_hbm.at[c, pl.ds(s * _RPS, _RPS)])
    pltpu.sync_copy(cntl, cnt_hbm.at[wid])

  return sc_agg


def _make_sc_scalar_seg(interpret=False):
  mesh = plsc.VectorSubcoreMesh(
      core_axis_name="c", subcore_axis_name="s",
      num_cores=_NC, num_subcores=_NS)

  @functools.partial(
      pl.kernel,
      out_type=jax.ShapeDtypeStruct((_NW, _NPAD), jnp.float32),
      mesh=mesh,
      scratch_types=[
          pltpu.VMEM((_NPAD,), jnp.float32),
          pltpu.VMEM((_NPAD,), jnp.float32),
          pltpu.VMEM((_EW,), jnp.int32),
          pltpu.VMEM((_EW,), jnp.int32),
      ],
      compiler_params=pltpu.CompilerParams(needs_layout_passes=False),
      interpret=interpret,
  )
  def sc_seg(p_hbm, src_hbm, dst_hbm, s2_hbm, pv, s2v, srcl, dstl):
    c = lax.axis_index("c")
    s = lax.axis_index("s")
    wid = s * _NC + c
    zero16 = jnp.zeros((16,), jnp.float32)

    def z(i, carry):
      s2v[pl.ds(i * 16, 16)] = zero16
      return carry
    lax.fori_loop(0, _NPAD // 16, z, 0)

    pltpu.sync_copy(p_hbm, pv)
    base = wid * _EW
    pltpu.sync_copy(src_hbm.at[pl.ds(base, _EW)], srcl)
    pltpu.sync_copy(dst_hbm.at[pl.ds(base, _EW)], dstl)

    def eb(i, carry):
      for u in range(8):
        s16 = srcl[pl.ds(i * 128 + u * 16, 16)]
        d16 = dstl[pl.ds(i * 128 + u * 16, 16)]
        vals = plsc.load_gather(pv, [s16])
        plsc.addupdate_scatter(s2v, [d16], vals)
      return carry
    lax.fori_loop(0, _EW // 128, eb, 0)

    pltpu.sync_copy(s2v, s2_hbm.at[wid])

  return sc_seg


def _tc_dense_body(agg_ref, cnt_ref, x_ref, wl_ref, bl_ref, wr_ref, wc_ref,
                   h_ref, prq_ref):
  i = pl.program_id(0)
  agg = agg_ref[0] + agg_ref[1]
  cnt = jnp.sum(cnt_ref[...], axis=0)
  mean = agg / jnp.maximum(cnt, 1.0)[:, None]
  h = mean @ wl_ref[...] + bl_ref[...] + x_ref[...] @ wr_ref[...]
  h = jnp.maximum(h, 0.0)
  h_ref[...] = h
  rid = i * _BLK + lax.broadcasted_iota(jnp.int32, (_BLK, 1), 0)
  prq = jnp.dot(h, wc_ref[...], preferred_element_type=jnp.float32)
  prq_ref[...] = jnp.where(rid < _N, prq, 0.0)


def _make_tc_dense(interpret=False):
  return pl.pallas_call(
      _tc_dense_body,
      grid=(_NPAD // _BLK,),
      in_specs=[
          pl.BlockSpec((_NC, _BLK, _D), lambda i: (0, i, 0)),
          pl.BlockSpec((_NW, _BLK), lambda i: (0, i)),
          pl.BlockSpec((_BLK, _D), lambda i: (i, 0)),
          pl.BlockSpec((_D, _D), lambda i: (0, 0)),
          pl.BlockSpec((1, _D), lambda i: (0, 0)),
          pl.BlockSpec((_D, _D), lambda i: (0, 0)),
          pl.BlockSpec((_D, _D), lambda i: (0, 0)),
      ],
      out_specs=[
          pl.BlockSpec((_BLK, _D), lambda i: (i, 0)),
          pl.BlockSpec((_BLK, _D), lambda i: (i, 0)),
      ],
      out_shape=[
          jax.ShapeDtypeStruct((_NPAD, _D), jnp.float32),
          jax.ShapeDtypeStruct((_NPAD, _D), jnp.float32),
      ],
      interpret=interpret,
  )


def _tc_final_body(s232_ref, r_ref, q_ref, h3_ref, brel_ref, bgate_ref,
                   out_ref, coeff_scr):
  mnint = jnp.int32(-2147483648)
  s2 = jnp.sum(s232_ref[...], axis=0)
  score = jnp.tanh(s2 + brel_ref[0, 0] + r_ref[...])
  rid = (lax.broadcasted_iota(jnp.int32, (_NR, 128), 0) * 128
         + lax.broadcasted_iota(jnp.int32, (_NR, 128), 1))
  score = jnp.where(rid < _N, score, -2.0)
  bi = lax.bitcast_convert_type(score, jnp.int32)
  ks = jnp.where(bi >= 0, bi, jnp.bitwise_xor(jnp.bitwise_not(bi), mnint))

  def bis(it, thr):
    t = jnp.bitwise_xor(thr, lax.shift_left(jnp.int32(1), 31 - it))
    cnt = jnp.sum(jnp.where(ks >= t, 1.0, 0.0))
    return jnp.where(cnt >= float(_K), t, thr)
  thr = lax.fori_loop(0, 32, bis, mnint)

  gt = ks > thr
  eq = ks == thr
  c_gt = jnp.sum(jnp.where(gt, 1.0, 0.0))
  need = float(_K) - c_gt
  eqf = jnp.where(eq, 1.0, 0.0)
  ii = lax.broadcasted_iota(jnp.int32, (128, 128), 0)
  jj = lax.broadcasted_iota(jnp.int32, (128, 128), 1)
  slt = jnp.where(ii < jj, 1.0, 0.0)
  within = jnp.dot(eqf, slt, preferred_element_type=jnp.float32)
  rs = jnp.sum(eqf, axis=1, keepdims=True)
  aa = lax.broadcasted_iota(jnp.int32, (_NR, _NR), 0)
  bb = lax.broadcasted_iota(jnp.int32, (_NR, _NR), 1)
  sltr = jnp.where(bb < aa, 1.0, 0.0)
  rs_ex = jnp.dot(sltr, rs, preferred_element_type=jnp.float32)
  prefix = within + rs_ex
  sel = gt | (eq & (prefix < need))

  g = score * q_ref[...] + bgate_ref[0, 0]
  gm = jnp.max(jnp.where(sel, g, -jnp.inf))
  w = jnp.where(sel, jnp.exp(g - gm), 0.0)
  z = jnp.sum(w)
  coeff_scr[...] = w * score / z

  def ab(i, acc):
    return acc + jnp.dot(coeff_scr[i][None, :], h3_ref[i],
                         preferred_element_type=jnp.float32)
  out_ref[...] = lax.fori_loop(0, _NR, ab, jnp.zeros((1, _D), jnp.float32))


def _make_tc_final(interpret=False):
  return pl.pallas_call(
      _tc_final_body,
      out_shape=jax.ShapeDtypeStruct((1, _D), jnp.float32),
      scratch_shapes=[pltpu.VMEM((_NR, 128), jnp.float32)],
      interpret=interpret,
  )


_sc_agg = functools.cache(_make_sc_agg)
_sc_seg = functools.cache(_make_sc_scalar_seg)
_tc_dense = functools.cache(_make_tc_dense)
_tc_final = functools.cache(_make_tc_final)


def kernel(x, edge_index, W_l, b_l, W_r, W_rel, b_rel, W_root, W_gate, b_gate):
  src = edge_index[0]
  dst = edge_index[1]
  npad_e = _EPAD - _E
  srcp = jnp.concatenate([src, jnp.full((npad_e,), _N, jnp.int32)])
  dstp = jnp.concatenate([dst, jnp.full((npad_e,), _NPAD - 1, jnp.int32)])
  xpad = jnp.concatenate([x, jnp.zeros((_NPAD - _N, _D), jnp.float32)])

  agg, cnt = _sc_agg()(xpad, srcp, dstp)

  wc = jnp.concatenate([W_rel, W_root, W_gate], axis=1)
  wc = jnp.pad(wc, ((0, 0), (0, _D - 3)))
  h, prq = _tc_dense()(agg, cnt, xpad, W_l, b_l.reshape(1, _D), W_r, wc)

  p = prq[:, 0]
  s2 = _sc_seg()(p, srcp, dstp)

  out = _tc_final()(
      s2.reshape(_NW, _NR, 128),
      prq[:, 1].reshape(_NR, 128),
      prq[:, 2].reshape(_NR, 128),
      h.reshape(_NR, 128, _D),
      b_rel.reshape(1, 1),
      b_gate.reshape(1, 1),
  )
  return out

# --- scband reference (transcript-rebuilt; emitter-appended) ---
"""Pipeline reference for scband-path-feature-33114197852441 (READ-ONLY COPY).

The authoritative reference and input builder live on the scoring server;
editing this copy changes nothing except your own understanding.
"""

import jax, jax.numpy as jnp
import numpy as np

N, E, D = 10000, 320000, 128
RATIO = 0.8

def setup_inputs(seed: int = 0) -> dict:
    key = jax.random.key(seed)
    ks = jax.random.split(key, 10)
    x = jax.random.normal(ks[0], (N, D), dtype=jnp.float32)
    edge_index = jax.random.randint(ks[1], (2, E), 0, N, dtype=jnp.int32)
    s = 1.0 / np.sqrt(D)
    # SAGEConv(D, D): lin_l (aggregated neighbors, with bias), lin_r (root, no bias)
    W_l = jax.random.uniform(ks[2], (D, D), jnp.float32, -s, s)
    b_l = jax.random.uniform(ks[3], (D,), jnp.float32, -s, s)
    W_r = jax.random.uniform(ks[4], (D, D), jnp.float32, -s, s)
    # SAGPooling gnn = GraphConv(D, 1): lin_rel (with bias), lin_root (no bias)
    W_rel = jax.random.uniform(ks[5], (D, 1), jnp.float32, -s, s)
    b_rel = jax.random.uniform(ks[6], (1,), jnp.float32, -s, s)
    W_root = jax.random.uniform(ks[7], (D, 1), jnp.float32, -s, s)
    # GlobalAttention gate_nn = Linear(D, 1)
    W_gate = jax.random.uniform(ks[8], (D, 1), jnp.float32, -s, s)
    b_gate = jax.random.uniform(ks[9], (1,), jnp.float32, -s, s)
    return {"x": x, "edge_index": edge_index, "W_l": W_l, "b_l": b_l, "W_r": W_r,
            "W_rel": W_rel, "b_rel": b_rel, "W_root": W_root,
            "W_gate": W_gate, "b_gate": b_gate}

def reference(x, edge_index, W_l, b_l, W_r, W_rel, b_rel, W_root, W_gate, b_gate):
    n = x.shape[0]
    src = edge_index[0]
    dst = edge_index[1]
    # --- SAGEConv (mean aggregation over incoming neighbors) ---
    agg = jax.ops.segment_sum(x[src], dst, num_segments=n)
    cnt = jax.ops.segment_sum(jnp.ones((src.shape[0],), x.dtype), dst, num_segments=n)
    mean = agg / jnp.maximum(cnt, 1.0)[:, None]
    h = mean @ W_l + b_l + x @ W_r
    h = jax.nn.relu(h)
    # --- SAGPooling: score = tanh(GraphConv(h)); topk ratio=0.8 ---
    agg2 = jax.ops.segment_sum(h[src], dst, num_segments=n)
    score = (agg2 @ W_rel + b_rel + h @ W_root).reshape(-1)
    score = jnp.tanh(score)
    k = int(np.ceil(RATIO * n))
    top_scores, perm = jax.lax.top_k(score, k)
    xp = h[perm] * top_scores[:, None]
    # --- GlobalAttention readout (single graph) ---
    gate = xp @ W_gate + b_gate  # [k, 1]
    alpha = jax.nn.softmax(gate, axis=0)
    out = jnp.sum(alpha * xp, axis=0, keepdims=True)  # [1, D]
    return out

if __name__ == "__main__":
    import jax
    _d = setup_inputs()
    print(jax.jit(kernel)(*tuple(_d.values())))

</pallas_src>

<mosaic_0001>
#map = affine_map<(d0, d1) -> (0, 0)>
#map1 = affine_map<(d0, d1) -> (0)>
#map2 = affine_map<(d0, d1) -> (0, 0, 0)>
module attributes {stable_mosaic.version = 14 : i64} {
  func.func @sc_agg(%arg0: i32, %arg1: i32, %arg2: memref<10240x128xf32, #tpu.memory_space<hbm>>, %arg3: memref<327680xi32, #tpu.memory_space<hbm>>, %arg4: memref<327680xi32, #tpu.memory_space<hbm>>, %arg5: memref<2x10240x128xf32, #tpu.memory_space<hbm>>, %arg6: memref<32x10240xf32, #tpu.memory_space<hbm>>, %arg7: memref<128xi32, #tpu.memory_space<vmem>>, %arg8: memref<128xi32, #tpu.memory_space<vmem>>, %arg9: memref<128x128xf32, #tpu.memory_space<vmem>>, %arg10: memref<128xi32, #tpu.memory_space<vmem>>, %arg11: memref<128xi32, #tpu.memory_space<vmem>>, %arg12: memref<128x128xf32, #tpu.memory_space<vmem>>, %arg13: memref<10240xf32, #tpu.memory_space<vmem>>, %arg14: memref<10240x128xf32, #tpu.memory_space<vmem_shared>>, %arg15: memref<!tpu.dma_semaphore, #tpu.memory_space<semaphore_mem>>, %arg16: memref<!tpu.dma_semaphore, #tpu.memory_space<semaphore_mem>>) attributes {dimension_semantics = [#tpu.dimension_semantics<core_parallel>, #tpu.dimension_semantics<subcore_parallel>], iteration_bounds = array<i64: 2, 16>, scalar_prefetch = 0 : i64, scratch_operands = 10 : i64, tpu.core_type = #tpu.core_type<sc_vector_subcore>, window_params = [{transform_indices = #map}, {transform_indices = #map1}, {transform_indices = #map1}, {transform_indices = #map2}, {transform_indices = #map}]} {
    %mul3A = arith.constant 2 : i32
    %mul3A_0 = arith.muli %arg1, %mul3A : i32
    %add3A = arith.addi %mul3A_0, %arg0 : i32
    %broadcast_in_dim3A = arith.constant 0.000000e+00 : f32
    %broadcast_in_dim3A_1 = vector.broadcast %broadcast_in_dim3A : f32 to vector<16xf32>
    %broadcast_in_dim3A_2 = arith.constant 1.000000e+00 : f32
    %broadcast_in_dim3A_3 = vector.broadcast %broadcast_in_dim3A_2 : f32 to vector<16xf32>
    %scan3A = arith.constant 0 : i32
    %scan3A_4 = arith.constant 0 : i32
    %scan3A_5 = arith.constant 128 : i32
    %scan3A_6 = arith.addi %scan3A_4, %scan3A_5 : i32
    %scan3A_7 = arith.constant 1 : i32
    scf.for %scan3A_38 = %scan3A_4 to %scan3A_6 step %scan3A_7  : i32 {
      %swap3A = arith.index_cast %scan3A_38 : i32 to index
      %swap3A_39 = arith.constant 0 : index
      %swap3A_40 = tpu.vector_load %arg9[%swap3A, %swap3A_39] {strides = array<i32>} : memref<128x128xf32, #tpu.memory_space<vmem>>, vector<16xf32>,
      tpu.vector_store %arg9[%swap3A, %swap3A_39], %broadcast_in_dim3A_1 {strides = array<i32>} : memref<128x128xf32, #tpu.memory_space<vmem>>, vector<16xf32>,
      %swap3A_41 = arith.index_cast %scan3A_38 : i32 to index
      %swap3A_42 = arith.constant 16 : index
      %swap3A_43 = tpu.vector_load %arg9[%swap3A_41, %swap3A_42] {strides = array<i32>} : memref<128x128xf32, #tpu.memory_space<vmem>>, vector<16xf32>,
      tpu.vector_store %arg9[%swap3A_41, %swap3A_42], %broadcast_in_dim3A_1 {strides = array<i32>} : memref<128x128xf32, #tpu.memory_space<vmem>>, vector<16xf32>,
      %swap3A_44 = arith.index_cast %scan3A_38 : i32 to index
      %swap3A_45 = arith.constant 32 : index
      %swap3A_46 = tpu.vector_load %arg9[%swap3A_44, %swap3A_45] {strides = array<i32>} : memref<128x128xf32, #tpu.memory_space<vmem>>, vector<16xf32>,
      tpu.vector_store %arg9[%swap3A_44, %swap3A_45], %broadcast_in_dim3A_1 {strides = array<i32>} : memref<128x128xf32, #tpu.memory_space<vmem>>, vector<16xf32>,
      %swap3A_47 = arith.index_cast %scan3A_38 : i32 to index
      %swap3A_48 = arith.constant 48 : index
      %swap3A_49 = tpu.vector_load %arg9[%swap3A_47, %swap3A_48] {strides = array<i32>} : memref<128x128xf32, #tpu.memory_space<vmem>>, vector<16xf32>,
      tpu.vector_store %arg9[%swap3A_47, %swap3A_48], %broadcast_in_dim3A_1 {strides = array<i32>} : memref<128x128xf32, #tpu.memory_space<vmem>>, vector<16xf32>,
      %swap3A_50 = arith.index_cast %scan3A_38 : i32 to index
      %swap3A_51 = arith.constant 64 : index
      %swap3A_52 = tpu.vector_load %arg9[%swap3A_50, %swap3A_51] {strides = array<i32>} : memref<128x128xf32, #tpu.memory_space<vmem>>, vector<16xf32>,
      tpu.vector_store %arg9[%swap3A_50, %swap3A_51], %broadcast_in_dim3A_1 {strides = array<i32>} : memref<128x128xf32, #tpu.memory_space<vmem>>, vector<16xf32>,
      %swap3A_53 = arith.index_cast %scan3A_38 : i32 to index
      %swap3A_54 = arith.constant 80 : index
      %swap3A_55 = tpu.vector_load %arg9[%swap3A_53, %swap3A_54] {strides = array<i32>} : memref<128x128xf32, #tpu.memory_space<vmem>>, vector<16xf32>,
      tpu.vector_store %arg9[%swap3A_53, %swap3A_54], %broadcast_in_dim3A_1 {strides = array<i32>} : memref<128x128xf32, #tpu.memory_space<vmem>>, vector<16xf32>,
      %swap3A_56 = arith.index_cast %scan3A_38 : i32 to index
      %swap3A_57 = arith.constant 96 : index
      %swap3A_58 = tpu.vector_load %arg9[%swap3A_56, %swap3A_57] {strides = array<i32>} : memref<128x128xf32, #tpu.memory_space<vmem>>, vector<16xf32>,
      tpu.vector_store %arg9[%swap3A_56, %swap3A_57], %broadcast_in_dim3A_1 {strides = array<i32>} : memref<128x128xf32, #tpu.memory_space<vmem>>, vector<16xf32>,
      %swap3A_59 = arith.index_cast %scan3A_38 : i32 to index
      %swap3A_60 = arith.constant 112 : index
      %swap3A_61 = tpu.vector_load %arg9[%swap3A_59, %swap3A_60] {strides = array<i32>} : memref<128x128xf32, #tpu.memory_space<vmem>>, vector<16xf32>,
      tpu.vector_store %arg9[%swap3A_59, %swap3A_60], %broadcast_in_dim3A_1 {strides = array<i32>} : memref<128x128xf32, #tpu.memory_space<vmem>>, vector<16xf32>,
    }
    %scan3A_8 = arith.constant 128 : i32
    %scan3A_9 = arith.constant 0 : i32
    %scan3A_10 = arith.constant 0 : i32
    %scan3A_11 = arith.constant 640 : i32
    %scan3A_12 = arith.addi %scan3A_10, %scan3A_11 : i32
    %scan3A_13 = arith.constant 1 : i32
    scf.for %scan3A_38 = %scan3A_10 to %scan3A_12 step %scan3A_13  : i32 {
      %mul3A_39 = arith.constant 16 : i32
      %mul3A_40 = arith.muli %scan3A_38, %mul3A_39 : i32
      %swap3A = arith.index_cast %mul3A_40 : i32 to index
      %swap3A_41 = tpu.vector_load %arg13[%swap3A] {strides = array<i32>} : memref<10240xf32, #tpu.memory_space<vmem>>, vector<16xf32>,
      tpu.vector_store %arg13[%swap3A], %broadcast_in_dim3A_1 {strides = array<i32>} : memref<10240xf32, #tpu.memory_space<vmem>>, vector<16xf32>,
    }
    %scan3A_14 = arith.constant 640 : i32
    %scan3A_15 = arith.constant 0 : i32
    %scan3A_16 = arith.constant 0 : i32
    %scan3A_17 = arith.constant 5 : i32
    %scan3A_18 = arith.addi %scan3A_16, %scan3A_17 : i32
    %scan3A_19 = arith.constant 1 : i32
    scf.for %scan3A_38 = %scan3A_16 to %scan3A_18 step %scan3A_19  : i32 {
      %mul3A_39 = arith.constant 640 : i32
      %mul3A_40 = arith.muli %arg1, %mul3A_39 : i32
      %mul3A_41 = arith.constant 128 : i32
      %mul3A_42 = arith.muli %scan3A_38, %mul3A_41 : i32
      %add3A_43 = arith.addi %mul3A_40, %mul3A_42 : i32
      "tpu.region"() ({
        %run_scoped3A = tpu.sem_alloc : memref<!tpu.dma_semaphore, #tpu.memory_space<semaphore_mem>>
        %dma_start3A_44 = arith.constant 0 : i32
        %dma_start3A_45 = tpu.memref_slice %arg14[%add3A_43, %dma_start3A_44] : memref<10240x128xf32, #tpu.memory_space<vmem_shared>> -> memref<128x128xf32, #tpu.memory_space<vmem_shared>>
        %dma_start3A_46 = arith.constant 0 : i32
        %dma_start3A_47 = tpu.memref_slice %arg14[%add3A_43, %dma_start3A_46] : memref<10240x128xf32, #tpu.memory_space<vmem_shared>> -> memref<128x128xf32, #tpu.memory_space<vmem_shared>>
        tpu.enqueue_dma source(%arg9 : memref<128x128xf32, #tpu.memory_space<vmem>>) target(%dma_start3A_47 : memref<128x128xf32, #tpu.memory_space<vmem_shared>>) target_semaphore(%run_scoped3A : memref<!tpu.dma_semaphore, #tpu.memory_space<semaphore_mem>>)
        %dma_wait3A = arith.constant 0 : i32
        %dma_wait3A_48 = tpu.memref_slice %arg14[%add3A_43, %dma_wait3A] : memref<10240x128xf32, #tpu.memory_space<vmem_shared>> -> memref<128x128xf32, #tpu.memory_space<vmem_shared>>
        %dma_wait3A_49 = arith.constant 0 : i32
        %dma_wait3A_50 = tpu.memref_slice %arg14[%add3A_43, %dma_wait3A_49] : memref<10240x128xf32, #tpu.memory_space<vmem_shared>> -> memref<128x128xf32, #tpu.memory_space<vmem_shared>>
        tpu.wait_dma2 semaphore(%run_scoped3A : memref<!tpu.dma_semaphore, #tpu.memory_space<semaphore_mem>>) src(%arg9 : memref<128x128xf32, #tpu.memory_space<vmem>>) dst(%dma_wait3A_50 : memref<128x128xf32, #tpu.memory_space<vmem_shared>>)
        tpu.yield
      }) : () -> ()
    }
    %scan3A_20 = arith.constant 5 : i32
    %barrier3A = arith.constant 0 : index
    tpu.barrier barrier_id(%barrier3A)
    %mul3A_21 = arith.constant 10240 : i32
    %mul3A_22 = arith.muli %add3A, %mul3A_21 : i32
    %add3A_23 = arith.constant 0 : i32
    %add3A_24 = arith.addi %mul3A_22, %add3A_23 : i32
    "tpu.region"() ({
      %run_scoped3A = tpu.sem_alloc : memref<!tpu.dma_semaphore, #tpu.memory_space<semaphore_mem>>
      %dma_start3A_38 = tpu.memref_slice %arg3[%add3A_24] : memref<327680xi32, #tpu.memory_space<hbm>> -> memref<128xi32, #tpu.memory_space<hbm>>
      %dma_start3A_39 = tpu.memref_slice %arg3[%add3A_24] : memref<327680xi32, #tpu.memory_space<hbm>> -> memref<128xi32, #tpu.memory_space<hbm>>
      tpu.enqueue_dma source(%dma_start3A_39 : memref<128xi32, #tpu.memory_space<hbm>>) target(%arg7 : memref<128xi32, #tpu.memory_space<vmem>>) target_semaphore(%run_scoped3A : memref<!tpu.dma_semaphore, #tpu.memory_space<semaphore_mem>>)
      %dma_wait3A = tpu.memref_slice %arg3[%add3A_24] : memref<327680xi32, #tpu.memory_space<hbm>> -> memref<128xi32, #tpu.memory_space<hbm>>
      %dma_wait3A_40 = tpu.memref_slice %arg3[%add3A_24] : memref<327680xi32, #tpu.memory_space<hbm>> -> memref<128xi32, #tpu.memory_space<hbm>>
      tpu.wait_dma2 semaphore(%run_scoped3A : memref<!tpu.dma_semaphore, #tpu.memory_space<semaphore_mem>>) src(%dma_wait3A_40 : memref<128xi32, #tpu.memory_space<hbm>>) dst(%arg7 : memref<128xi32, #tpu.memory_space<vmem>>)
      tpu.yield
    }) : () -> ()
    "tpu.region"() ({
      %run_scoped3A = tpu.sem_alloc : memref<!tpu.dma_semaphore, #tpu.memory_space<semaphore_mem>>
      %dma_start3A_38 = tpu.memref_slice %arg4[%add3A_24] : memref<327680xi32, #tpu.memory_space<hbm>> -> memref<128xi32, #tpu.memory_space<hbm>>
      %dma_start3A_39 = tpu.memref_slice %arg4[%add3A_24] : memref<327680xi32, #tpu.memory_space<hbm>> -> memref<128xi32, #tpu.memory_space<hbm>>
      tpu.enqueue_dma source(%dma_start3A_39 : memref<128xi32, #tpu.memory_space<hbm>>) target(%arg8 : memref<128xi32, #tpu.memory_space<vmem>>) target_semaphore(%run_scoped3A : memref<!tpu.dma_semaphore, #tpu.memory_space<semaphore_mem>>)
      %dma_wait3A = tpu.memref_slice %arg4[%add3A_24] : memref<327680xi32, #tpu.memory_space<hbm>> -> memref<128xi32, #tpu.memory_space<hbm>>
      %dma_wait3A_40 = tpu.memref_slice %arg4[%add3A_24] : memref<327680xi32, #tpu.memory_space<hbm>> -> memref<128xi32, #tpu.memory_space<hbm>>
      tpu.wait_dma2 semaphore(%run_scoped3A : memref<!tpu.dma_semaphore, #tpu.memory_space<semaphore_mem>>) src(%dma_wait3A_40 : memref<128xi32, #tpu.memory_space<hbm>>) dst(%arg8 : memref<128xi32, #tpu.memory_space<vmem>>)
      tpu.yield
    }) : () -> ()
    %dma_start3A = arith.constant 0 : i32
    %dma_start3A_25 = arith.constant 0 : i32
    %dma_start3A_26 = tpu.memref_slice %arg2[%dma_start3A, %dma_start3A_25] : memref<10240x128xf32, #tpu.memory_space<hbm>> -> memref<10240x128xf32, #tpu.memory_space<hbm>>
    tpu.enqueue_indirect_dma source(%dma_start3A_26 : memref<10240x128xf32, #tpu.memory_space<hbm>>) target(%arg9 : memref<128x128xf32, #tpu.memory_space<vmem>>) offsets(%arg7 : memref<128xi32, #tpu.memory_space<vmem>>) semaphore(%arg15 : memref<!tpu.dma_semaphore, #tpu.memory_space<semaphore_mem>>)
    %scan3A_27 = arith.constant 0 : i32
    %scan3A_28 = arith.constant 0 : i32
    %scan3A_29 = arith.constant 40 : i32
    %scan3A_30 = arith.addi %scan3A_28, %scan3A_29 : i32
    %scan3A_31 = arith.constant 1 : i32
    scf.for %scan3A_38 = %scan3A_28 to %scan3A_30 step %scan3A_31  : i32 {
      %mul3A_39 = arith.constant 2 : i32
      %mul3A_40 = arith.muli %mul3A_39, %scan3A_38 : i32
      %add3A_41 = arith.constant 1 : i32
      %add3A_42 = arith.addi %mul3A_40, %add3A_41 : i32
      %mul3A_43 = arith.constant 128 : i32
      %mul3A_44 = arith.muli %add3A_42, %mul3A_43 : i32
      %add3A_45 = arith.addi %mul3A_22, %mul3A_44 : i32
      "tpu.region"() ({
        %run_scoped3A = tpu.sem_alloc : memref<!tpu.dma_semaphore, #tpu.memory_space<semaphore_mem>>
        %dma_start3A_87 = tpu.memref_slice %arg3[%add3A_45] : memref<327680xi32, #tpu.memory_space<hbm>> -> memref<128xi32, #tpu.memory_space<hbm>>
        %dma_start3A_88 = tpu.memref_slice %arg3[%add3A_45] : memref<327680xi32, #tpu.memory_space<hbm>> -> memref<128xi32, #tpu.memory_space<hbm>>
        tpu.enqueue_dma source(%dma_start3A_88 : memref<128xi32, #tpu.memory_space<hbm>>) target(%arg10 : memref<128xi32, #tpu.memory_space<vmem>>) target_semaphore(%run_scoped3A : memref<!tpu.dma_semaphore, #tpu.memory_space<semaphore_mem>>)
        %dma_wait3A_89 = tpu.memref_slice %arg3[%add3A_45] : memref<327680xi32, #tpu.memory_space<hbm>> -> memref<128xi32, #tpu.memory_space<hbm>>
        %dma_wait3A_90 = tpu.memref_slice %arg3[%add3A_45] : memref<327680xi32, #tpu.memory_space<hbm>> -> memref<128xi32, #tpu.memory_space<hbm>>
        tpu.wait_dma2 semaphore(%run_scoped3A : memref<!tpu.dma_semaphore, #tpu.memory_space<semaphore_mem>>) src(%dma_wait3A_90 : memref<128xi32, #tpu.memory_space<hbm>>) dst(%arg10 : memref<128xi32, #tpu.memory_space<vmem>>)
        tpu.yield
      }) : () -> ()
      "tpu.region"() ({
        %run_scoped3A = tpu.sem_alloc : memref<!tpu.dma_semaphore, #tpu.memory_space<semaphore_mem>>
        %dma_start3A_87 = tpu.memref_slice %arg4[%add3A_45] : memref<327680xi32, #tpu.memory_space<hbm>> -> memref<128xi32, #tpu.memory_space<hbm>>
        %dma_start3A_88 = tpu.memref_slice %arg4[%add3A_45] : memref<327680xi32, #tpu.memory_space<hbm>> -> memref<128xi32, #tpu.memory_space<hbm>>
        tpu.enqueue_dma source(%dma_start3A_88 : memref<128xi32, #tpu.memory_space<hbm>>) target(%arg11 : memref<128xi32, #tpu.memory_space<vmem>>) target_semaphore(%run_scoped3A : memref<!tpu.dma_semaphore, #tpu.memory_space<semaphore_mem>>)
        %dma_wait3A_89 = tpu.memref_slice %arg4[%add3A_45] : memref<327680xi32, #tpu.memory_space<hbm>> -> memref<128xi32, #tpu.memory_space<hbm>>
        %dma_wait3A_90 = tpu.memref_slice %arg4[%add3A_45] : memref<327680xi32, #tpu.memory_space<hbm>> -> memref<128xi32, #tpu.memory_space<hbm>>
        tpu.wait_dma2 semaphore(%run_scoped3A : memref<!tpu.dma_semaphore, #tpu.memory_space<semaphore_mem>>) src(%dma_wait3A_90 : memref<128xi32, #tpu.memory_space<hbm>>) dst(%arg11 : memref<128xi32, #tpu.memory_space<vmem>>)
        tpu.yield
      }) : () -> ()
      %dma_start3A_46 = arith.constant 0 : i32
      %dma_start3A_47 = arith.constant 0 : i32
      %dma_start3A_48 = tpu.memref_slice %arg2[%dma_start3A_46, %dma_start3A_47] : memref<10240x128xf32, #tpu.memory_space<hbm>> -> memref<10240x128xf32, #tpu.memory_space<hbm>>
      tpu.enqueue_indirect_dma source(%dma_start3A_48 : memref<10240x128xf32, #tpu.memory_space<hbm>>) target(%arg12 : memref<128x128xf32, #tpu.memory_space<vmem>>) offsets(%arg10 : memref<128xi32, #tpu.memory_space<vmem>>) semaphore(%arg16 : memref<!tpu.dma_semaphore, #tpu.memory_space<semaphore_mem>>)
      %dma_wait3A = arith.constant 0 : i32
      %dma_wait3A_49 = arith.constant 0 : i32
      %dma_wait3A_50 = tpu.memref_slice %arg2[%dma_wait3A, %dma_wait3A_49] : memref<10240x128xf32, #tpu.memory_space<hbm>> -> memref<10240x128xf32, #tpu.memory_space<hbm>>
      tpu.wait_indirect_dma semaphore(%arg15 : memref<!tpu.dma_semaphore, #tpu.memory_space<semaphore_mem>>) src(%dma_wait3A_50 : memref<10240x128xf32, #tpu.memory_space<hbm>>) dst(%arg9 : memref<128x128xf32, #tpu.memory_space<vmem>>)
      "tpu.region"() ({
        %run_scoped3A = tpu.sem_alloc : memref<!tpu.dma_semaphore, #tpu.memory_space<semaphore_mem>>
        %dma_start3A_87 = arith.constant 0 : i32
        %dma_start3A_88 = arith.constant 0 : i32
        %dma_start3A_89 = tpu.memref_slice %arg14[%dma_start3A_87, %dma_start3A_88] : memref<10240x128xf32, #tpu.memory_space<vmem_shared>> -> memref<10240x128xf32, #tpu.memory_space<vmem_shared>>
        tpu.enqueue_indirect_dma source(%arg9 : memref<128x128xf32, #tpu.memory_space<vmem>>) target(%dma_start3A_89 : memref<10240x128xf32, #tpu.memory_space<vmem_shared>>) offsets(%arg8 : memref<128xi32, #tpu.memory_space<vmem>>) semaphore(%run_scoped3A : memref<!tpu.dma_semaphore, #tpu.memory_space<semaphore_mem>>) {add = true}
        %dma_wait3A_90 = arith.constant 0 : i32
        %dma_wait3A_91 = arith.constant 0 : i32
        %dma_wait3A_92 = tpu.memref_slice %arg14[%dma_wait3A_90, %dma_wait3A_91] : memref<10240x128xf32, #tpu.memory_space<vmem_shared>> -> memref<10240x128xf32, #tpu.memory_space<vmem_shared>>
        tpu.wait_indirect_dma semaphore(%run_scoped3A : memref<!tpu.dma_semaphore, #tpu.memory_space<semaphore_mem>>) src(%arg9 : memref<128x128xf32, #tpu.memory_space<vmem>>) dst(%dma_wait3A_92 : memref<10240x128xf32, #tpu.memory_space<vmem_shared>>)
        tpu.yield
      }) : () -> ()
      %get3A = arith.constant 0 : index
      %get3A_51 = tpu.vector_load %arg8[%get3A] {strides = array<i32>} : memref<128xi32, #tpu.memory_space<vmem>>, vector<16xi32>,
      tpu.vector_store_idx %arg13[%get3A_51], %broadcast_in_dim3A_3 {add = true} : memref<10240xf32, #tpu.memory_space<vmem>>[vector<16xi32>], vector<16xf32>,
      %get3A_52 = arith.constant 16 : index
      %get3A_53 = tpu.vector_load %arg8[%get3A_52] {strides = array<i32>} : memref<128xi32, #tpu.memory_space<vmem>>, vector<16xi32>,
      tpu.vector_store_idx %arg13[%get3A_53], %broadcast_in_dim3A_3 {add = true} : memref<10240xf32, #tpu.memory_space<vmem>>[vector<16xi32>], vector<16xf32>,
      %get3A_54 = arith.constant 32 : index
      %get3A_55 = tpu.vector_load %arg8[%get3A_54] {strides = array<i32>} : memref<128xi32, #tpu.memory_space<vmem>>, vector<16xi32>,
      tpu.vector_store_idx %arg13[%get3A_55], %broadcast_in_dim3A_3 {add = true} : memref<10240xf32, #tpu.memory_space<vmem>>[vector<16xi32>], vector<16xf32>,
      %get3A_56 = arith.constant 48 : index
      %get3A_57 = tpu.vector_load %arg8[%get3A_56] {strides = array<i32>} : memref<128xi32, #tpu.memory_space<vmem>>, vector<16xi32>,
      tpu.vector_store_idx %arg13[%get3A_57], %broadcast_in_dim3A_3 {add = true} : memref<10240xf32, #tpu.memory_space<vmem>>[vector<16xi32>], vector<16xf32>,
      %get3A_58 = arith.constant 64 : index
      %get3A_59 = tpu.vector_load %arg8[%get3A_58] {strides = array<i32>} : memref<128xi32, #tpu.memory_space<vmem>>, vector<16xi32>,
      tpu.vector_store_idx %arg13[%get3A_59], %broadcast_in_dim3A_3 {add = true} : memref<10240xf32, #tpu.memory_space<vmem>>[vector<16xi32>], vector<16xf32>,
      %get3A_60 = arith.constant 80 : index
      %get3A_61 = tpu.vector_load %arg8[%get3A_60] {strides = array<i32>} : memref<128xi32, #tpu.memory_space<vmem>>, vector<16xi32>,
      tpu.vector_store_idx %arg13[%get3A_61], %broadcast_in_dim3A_3 {add = true} : memref<10240xf32, #tpu.memory_space<vmem>>[vector<16xi32>], vector<16xf32>,
      %get3A_62 = arith.constant 96 : index
      %get3A_63 = tpu.vector_load %arg8[%get3A_62] {strides = array<i32>} : memref<128xi32, #tpu.memory_space<vmem>>, vector<16xi32>,
      tpu.vector_store_idx %arg13[%get3A_63], %broadcast_in_dim3A_3 {add = true} : memref<10240xf32, #tpu.memory_space<vmem>>[vector<16xi32>], vector<16xf32>,
      %get3A_64 = arith.constant 112 : index
      %get3A_65 = tpu.vector_load %arg8[%get3A_64] {strides = array<i32>} : memref<128xi32, #tpu.memory_space<vmem>>, vector<16xi32>,
      tpu.vector_store_idx %arg13[%get3A_65], %broadcast_in_dim3A_3 {add = true} : memref<10240xf32, #tpu.memory_space<vmem>>[vector<16xi32>], vector<16xf32>,
      %lt3A = arith.constant 39 : i32
      %lt3A_66 = arith.cmpi slt, %scan3A_38, %lt3A : i32
      %convert_element_type3A = arith.extui %lt3A_66 : i1 to i32
      %cond3A = arith.constant 0 : i32
      %cond3A_67 = arith.cmpi ne, %convert_element_type3A, %cond3A : i32
      scf.if %cond3A_67 {
        %add3A_87 = arith.constant 2 : i32
        %add3A_88 = arith.addi %mul3A_40, %add3A_87 : i32
        %mul3A_89 = arith.constant 128 : i32
        %mul3A_90 = arith.muli %add3A_88, %mul3A_89 : i32
        %add3A_91 = arith.addi %mul3A_22, %mul3A_90 : i32
        "tpu.region"() ({
          %run_scoped3A = tpu.sem_alloc : memref<!tpu.dma_semaphore, #tpu.memory_space<semaphore_mem>>
          %dma_start3A_95 = tpu.memref_slice %arg3[%add3A_91] : memref<327680xi32, #tpu.memory_space<hbm>> -> memref<128xi32, #tpu.memory_space<hbm>>
          %dma_start3A_96 = tpu.memref_slice %arg3[%add3A_91] : memref<327680xi32, #tpu.memory_space<hbm>> -> memref<128xi32, #tpu.memory_space<hbm>>
          tpu.enqueue_dma source(%dma_start3A_96 : memref<128xi32, #tpu.memory_space<hbm>>) target(%arg7 : memref<128xi32, #tpu.memory_space<vmem>>) target_semaphore(%run_scoped3A : memref<!tpu.dma_semaphore, #tpu.memory_space<semaphore_mem>>)
          %dma_wait3A_97 = tpu.memref_slice %arg3[%add3A_91] : memref<327680xi32, #tpu.memory_space<hbm>> -> memref<128xi32, #tpu.memory_space<hbm>>
          %dma_wait3A_98 = tpu.memref_slice %arg3[%add3A_91] : memref<327680xi32, #tpu.memory_space<hbm>> -> memref<128xi32, #tpu.memory_space<hbm>>
          tpu.wait_dma2 semaphore(%run_scoped3A : memref<!tpu.dma_semaphore, #tpu.memory_space<semaphore_mem>>) src(%dma_wait3A_98 : memref<128xi32, #tpu.memory_space<hbm>>) dst(%arg7 : memref<128xi32, #tpu.memory_space<vmem>>)
          tpu.yield
        }) : () -> ()
        "tpu.region"() ({
          %run_scoped3A = tpu.sem_alloc : memref<!tpu.dma_semaphore, #tpu.memory_space<semaphore_mem>>
          %dma_start3A_95 = tpu.memref_slice %arg4[%add3A_91] : memref<327680xi32, #tpu.memory_space<hbm>> -> memref<128xi32, #tpu.memory_space<hbm>>
          %dma_start3A_96 = tpu.memref_slice %arg4[%add3A_91] : memref<327680xi32, #tpu.memory_space<hbm>> -> memref<128xi32, #tpu.memory_space<hbm>>
          tpu.enqueue_dma source(%dma_start3A_96 : memref<128xi32, #tpu.memory_space<hbm>>) target(%arg8 : memref<128xi32, #tpu.memory_space<vmem>>) target_semaphore(%run_scoped3A : memref<!tpu.dma_semaphore, #tpu.memory_space<semaphore_mem>>)
          %dma_wait3A_97 = tpu.memref_slice %arg4[%add3A_91] : memref<327680xi32, #tpu.memory_space<hbm>> -> memref<128xi32, #tpu.memory_space<hbm>>
          %dma_wait3A_98 = tpu.memref_slice %arg4[%add3A_91] : memref<327680xi32, #tpu.memory_space<hbm>> -> memref<128xi32, #tpu.memory_space<hbm>>
          tpu.wait_dma2 semaphore(%run_scoped3A : memref<!tpu.dma_semaphore, #tpu.memory_space<semaphore_mem>>) src(%dma_wait3A_98 : memref<128xi32, #tpu.memory_space<hbm>>) dst(%arg8 : memref<128xi32, #tpu.memory_space<vmem>>)
          tpu.yield
        }) : () -> ()
        %dma_start3A_92 = arith.constant 0 : i32
        %dma_start3A_93 = arith.constant 0 : i32
        %dma_start3A_94 = tpu.memref_slice %arg2[%dma_start3A_92, %dma_start3A_93] : memref<10240x128xf32, #tpu.memory_space<hbm>> -> memref<10240x128xf32, #tpu.memory_space<hbm>>
        tpu.enqueue_indirect_dma source(%dma_start3A_94 : memref<10240x128xf32, #tpu.memory_space<hbm>>) target(%arg9 : memref<128x128xf32, #tpu.memory_space<vmem>>) offsets(%arg7 : memref<128xi32, #tpu.memory_space<vmem>>) semaphore(%arg15 : memref<!tpu.dma_semaphore, #tpu.memory_space<semaphore_mem>>)
      } else {
      }
      %dma_wait3A_68 = arith.constant 0 : i32
      %dma_wait3A_69 = arith.constant 0 : i32
      %dma_wait3A_70 = tpu.memref_slice %arg2[%dma_wait3A_68, %dma_wait3A_69] : memref<10240x128xf32, #tpu.memory_space<hbm>> -> memref<10240x128xf32, #tpu.memory_space<hbm>>
      tpu.wait_indirect_dma semaphore(%arg16 : memref<!tpu.dma_semaphore, #tpu.memory_space<semaphore_mem>>) src(%dma_wait3A_70 : memref<10240x128xf32, #tpu.memory_space<hbm>>) dst(%arg12 : memref<128x128xf32, #tpu.memory_space<vmem>>)
      "tpu.region"() ({
        %run_scoped3A = tpu.sem_alloc : memref<!tpu.dma_semaphore, #tpu.memory_space<semaphore_mem>>
        %dma_start3A_87 = arith.constant 0 : i32
        %dma_start3A_88 = arith.constant 0 : i32
        %dma_start3A_89 = tpu.memref_slice %arg14[%dma_start3A_87, %dma_start3A_88] : memref<10240x128xf32, #tpu.memory_space<vmem_shared>> -> memref<10240x128xf32, #tpu.memory_space<vmem_shared>>
        tpu.enqueue_indirect_dma source(%arg12 : memref<128x128xf32, #tpu.memory_space<vmem>>) target(%dma_start3A_89 : memref<10240x128xf32, #tpu.memory_space<vmem_shared>>) offsets(%arg11 : memref<128xi32, #tpu.memory_space<vmem>>) semaphore(%run_scoped3A : memref<!tpu.dma_semaphore, #tpu.memory_space<semaphore_mem>>) {add = true}
        %dma_wait3A_90 = arith.constant 0 : i32
        %dma_wait3A_91 = arith.constant 0 : i32
        %dma_wait3A_92 = tpu.memref_slice %arg14[%dma_wait3A_90, %dma_wait3A_91] : memref<10240x128xf32, #tpu.memory_space<vmem_shared>> -> memref<10240x128xf32, #tpu.memory_space<vmem_shared>>
        tpu.wait_indirect_dma semaphore(%run_scoped3A : memref<!tpu.dma_semaphore, #tpu.memory_space<semaphore_mem>>) src(%arg12 : memref<128x128xf32, #tpu.memory_space<vmem>>) dst(%dma_wait3A_92 : memref<10240x128xf32, #tpu.memory_space<vmem_shared>>)
        tpu.yield
      }) : () -> ()
      %get3A_71 = arith.constant 0 : index
      %get3A_72 = tpu.vector_load %arg11[%get3A_71] {strides = array<i32>} : memref<128xi32, #tpu.memory_space<vmem>>, vector<16xi32>,
      tpu.vector_store_idx %arg13[%get3A_72], %broadcast_in_dim3A_3 {add = true} : memref<10240xf32, #tpu.memory_space<vmem>>[vector<16xi32>], vector<16xf32>,
      %get3A_73 = arith.constant 16 : index
      %get3A_74 = tpu.vector_load %arg11[%get3A_73] {strides = array<i32>} : memref<128xi32, #tpu.memory_space<vmem>>, vector<16xi32>,
      tpu.vector_store_idx %arg13[%get3A_74], %broadcast_in_dim3A_3 {add = true} : memref<10240xf32, #tpu.memory_space<vmem>>[vector<16xi32>], vector<16xf32>,
      %get3A_75 = arith.constant 32 : index
      %get3A_76 = tpu.vector_load %arg11[%get3A_75] {strides = array<i32>} : memref<128xi32, #tpu.memory_space<vmem>>, vector<16xi32>,
      tpu.vector_store_idx %arg13[%get3A_76], %broadcast_in_dim3A_3 {add = true} : memref<10240xf32, #tpu.memory_space<vmem>>[vector<16xi32>], vector<16xf32>,
      %get3A_77 = arith.constant 48 : index
      %get3A_78 = tpu.vector_load %arg11[%get3A_77] {strides = array<i32>} : memref<128xi32, #tpu.memory_space<vmem>>, vector<16xi32>,
      tpu.vector_store_idx %arg13[%get3A_78], %broadcast_in_dim3A_3 {add = true} : memref<10240xf32, #tpu.memory_space<vmem>>[vector<16xi32>], vector<16xf32>,
      %get3A_79 = arith.constant 64 : index
      %get3A_80 = tpu.vector_load %arg11[%get3A_79] {strides = array<i32>} : memref<128xi32, #tpu.memory_space<vmem>>, vector<16xi32>,
      tpu.vector_store_idx %arg13[%get3A_80], %broadcast_in_dim3A_3 {add = true} : memref<10240xf32, #tpu.memory_space<vmem>>[vector<16xi32>], vector<16xf32>,
      %get3A_81 = arith.constant 80 : index
      %get3A_82 = tpu.vector_load %arg11[%get3A_81] {strides = array<i32>} : memref<128xi32, #tpu.memory_space<vmem>>, vector<16xi32>,
      tpu.vector_store_idx %arg13[%get3A_82], %broadcast_in_dim3A_3 {add = true} : memref<10240xf32, #tpu.memory_space<vmem>>[vector<16xi32>], vector<16xf32>,
      %get3A_83 = arith.constant 96 : index
      %get3A_84 = tpu.vector_load %arg11[%get3A_83] {strides = array<i32>} : memref<128xi32, #tpu.memory_space<vmem>>, vector<16xi32>,
      tpu.vector_store_idx %arg13[%get3A_84], %broadcast_in_dim3A_3 {add = true} : memref<10240xf32, #tpu.memory_space<vmem>>[vector<16xi32>], vector<16xf32>,
      %get3A_85 = arith.constant 112 : index
      %get3A_86 = tpu.vector_load %arg11[%get3A_85] {strides = array<i32>} : memref<128xi32, #tpu.memory_space<vmem>>, vector<16xi32>,
      tpu.vector_store_idx %arg13[%get3A_86], %broadcast_in_dim3A_3 {add = true} : memref<10240xf32, #tpu.memory_space<vmem>>[vector<16xi32>], vector<16xf32>,
    }
    %scan3A_32 = arith.constant 40 : i32
    %barrier3A_33 = arith.constant 0 : index
    tpu.barrier barrier_id(%barrier3A_33)
    %mul3A_34 = arith.constant 640 : i32
    %mul3A_35 = arith.muli %arg1, %mul3A_34 : i32
    %mul3A_36 = arith.constant 640 : i32
    %mul3A_37 = arith.muli %arg1, %mul3A_36 : i32
    "tpu.region"() ({
      %run_scoped3A = tpu.sem_alloc : memref<!tpu.dma_semaphore, #tpu.memory_space<semaphore_mem>>
      %dma_start3A_38 = arith.constant 0 : i32
      %dma_start3A_39 = tpu.memref_slice %arg5[%arg0, %mul3A_37, %dma_start3A_38] : memref<2x10240x128xf32, #tpu.memory_space<hbm>> -> memref<1x640x128xf32, #tpu.memory_space<hbm>>
      %dma_start3A_40 = tpu.memref_squeeze %dma_start3A_39 : memref<1x640x128xf32, #tpu.memory_space<hbm>> -> memref<640x128xf32, #tpu.memory_space<hbm>>
      %dma_start3A_41 = arith.constant 0 : i32
      %dma_start3A_42 = tpu.memref_slice %arg14[%mul3A_35, %dma_start3A_41] : memref<10240x128xf32, #tpu.memory_space<vmem_shared>> -> memref<640x128xf32, #tpu.memory_space<vmem_shared>>
      tpu.enqueue_dma source(%dma_start3A_42 : memref<640x128xf32, #tpu.memory_space<vmem_shared>>) target(%dma_start3A_40 : memref<640x128xf32, #tpu.memory_space<hbm>>) target_semaphore(%run_scoped3A : memref<!tpu.dma_semaphore, #tpu.memory_space<semaphore_mem>>)
      %dma_wait3A = arith.constant 0 : i32
      %dma_wait3A_43 = tpu.memref_slice %arg5[%arg0, %mul3A_37, %dma_wait3A] : memref<2x10240x128xf32, #tpu.memory_space<hbm>> -> memref<1x640x128xf32, #tpu.memory_space<hbm>>
      %dma_wait3A_44 = tpu.memref_squeeze %dma_wait3A_43 : memref<1x640x128xf32, #tpu.memory_space<hbm>> -> memref<640x128xf32, #tpu.memory_space<hbm>>
      %dma_wait3A_45 = arith.constant 0 : i32
      %dma_wait3A_46 = tpu.memref_slice %arg14[%mul3A_35, %dma_wait3A_45] : memref<10240x128xf32, #tpu.memory_space<vmem_shared>> -> memref<640x128xf32, #tpu.memory_space<vmem_shared>>
      tpu.wait_dma2 semaphore(%run_scoped3A : memref<!tpu.dma_semaphore, #tpu.memory_space<semaphore_mem>>) src(%dma_wait3A_46 : memref<640x128xf32, #tpu.memory_space<vmem_shared>>) dst(%dma_wait3A_44 : memref<640x128xf32, #tpu.memory_space<hbm>>)
      tpu.yield
    }) : () -> ()
    "tpu.region"() ({
      %run_scoped3A = tpu.sem_alloc : memref<!tpu.dma_semaphore, #tpu.memory_space<semaphore_mem>>
      %dma_start3A_38 = arith.constant 0 : i32
      %dma_start3A_39 = tpu.memref_slice %arg6[%add3A, %dma_start3A_38] : memref<32x10240xf32, #tpu.memory_space<hbm>> -> memref<1x10240xf32, #tpu.memory_space<hbm>>
      %dma_start3A_40 = tpu.memref_squeeze %dma_start3A_39 : memref<1x10240xf32, #tpu.memory_space<hbm>> -> memref<10240xf32, #tpu.memory_space<hbm>>
      %dma_start3A_41 = arith.constant 0 : i32
      %dma_start3A_42 = tpu.memref_slice %arg6[%add3A, %dma_start3A_41] : memref<32x10240xf32, #tpu.memory_space<hbm>> -> memref<1x10240xf32, #tpu.memory_space<hbm>>
      %dma_start3A_43 = tpu.memref_squeeze %dma_start3A_42 : memref<1x10240xf32, #tpu.memory_space<hbm>> -> memref<10240xf32, #tpu.memory_space<hbm>>
      tpu.enqueue_dma source(%arg13 : memref<10240xf32, #tpu.memory_space<vmem>>) target(%dma_start3A_43 : memref<10240xf32, #tpu.memory_space<hbm>>) target_semaphore(%run_scoped3A : memref<!tpu.dma_semaphore, #tpu.memory_space<semaphore_mem>>)
      %dma_wait3A = arith.constant 0 : i32
      %dma_wait3A_44 = tpu.memref_slice %arg6[%add3A, %dma_wait3A] : memref<32x10240xf32, #tpu.memory_space<hbm>> -> memref<1x10240xf32, #tpu.memory_space<hbm>>
      %dma_wait3A_45 = tpu.memref_squeeze %dma_wait3A_44 : memref<1x10240xf32, #tpu.memory_space<hbm>> -> memref<10240xf32, #tpu.memory_space<hbm>>
      %dma_wait3A_46 = arith.constant 0 : i32
      %dma_wait3A_47 = tpu.memref_slice %arg6[%add3A, %dma_wait3A_46] : memref<32x10240xf32, #tpu.memory_space<hbm>> -> memref<1x10240xf32, #tpu.memory_space<hbm>>
      %dma_wait3A_48 = tpu.memref_squeeze %dma_wait3A_47 : memref<1x10240xf32, #tpu.memory_space<hbm>> -> memref<10240xf32, #tpu.memory_space<hbm>>
      tpu.wait_dma2 semaphore(%run_scoped3A : memref<!tpu.dma_semaphore, #tpu.memory_space<semaphore_mem>>) src(%arg13 : memref<10240xf32, #tpu.memory_space<vmem>>) dst(%dma_wait3A_48 : memref<10240xf32, #tpu.memory_space<hbm>>)
      tpu.yield
    }) : () -> ()
    return
  }
}

#map = affine_map<(d0, d1) -> (0)>
#map1 = affine_map<(d0, d1) -> (0, 0)>
module attributes {stable_mosaic.version = 14 : i64} {
  func.func @sc_seg(%arg0: i32, %arg1: i32, %arg2: memref<10240xf32, #tpu.memory_space<hbm>>, %arg3: memref<327680xi32, #tpu.memory_space<hbm>>, %arg4: memref<327680xi32, #tpu.memory_space<hbm>>, %arg5: memref<32x10240xf32, #tpu.memory_space<hbm>>, %arg6: memref<10240xf32, #tpu.memory_space<vmem>>, %arg7: memref<10240xf32, #tpu.memory_space<vmem>>, %arg8: memref<10240xi32, #tpu.memory_space<vmem>>, %arg9: memref<10240xi32, #tpu.memory_space<vmem>>) attributes {dimension_semantics = [#tpu.dimension_semantics<core_parallel>, #tpu.dimension_semantics<subcore_parallel>], iteration_bounds = array<i64: 2, 16>, scalar_prefetch = 0 : i64, scratch_operands = 4 : i64, tpu.core_type = #tpu.core_type<sc_vector_subcore>, window_params = [{transform_indices = #map}, {transform_indices = #map}, {transform_indices = #map}, {transform_indices = #map1}]} {
    %mul3A = arith.constant 2 : i32
    %mul3A_0 = arith.muli %arg1, %mul3A : i32
    %add3A = arith.addi %mul3A_0, %arg0 : i32
    %broadcast_in_dim3A = arith.constant 0.000000e+00 : f32
    %broadcast_in_dim3A_1 = vector.broadcast %broadcast_in_dim3A : f32 to vector<16xf32>
    %scan3A = arith.constant 0 : i32
    %scan3A_2 = arith.constant 0 : i32
    %scan3A_3 = arith.constant 640 : i32
    %scan3A_4 = arith.addi %scan3A_2, %scan3A_3 : i32
    %scan3A_5 = arith.constant 1 : i32
    scf.for %scan3A_15 = %scan3A_2 to %scan3A_4 step %scan3A_5  : i32 {
      %mul3A_16 = arith.constant 16 : i32
      %mul3A_17 = arith.muli %scan3A_15, %mul3A_16 : i32
      %swap3A = arith.index_cast %mul3A_17 : i32 to index
      %swap3A_18 = tpu.vector_load %arg7[%swap3A] {strides = array<i32>} : memref<10240xf32, #tpu.memory_space<vmem>>, vector<16xf32>,
      tpu.vector_store %arg7[%swap3A], %broadcast_in_dim3A_1 {strides = array<i32>} : memref<10240xf32, #tpu.memory_space<vmem>>, vector<16xf32>,
    }
    %scan3A_6 = arith.constant 640 : i32
    "tpu.region"() ({
      %run_scoped3A = tpu.sem_alloc : memref<!tpu.dma_semaphore, #tpu.memory_space<semaphore_mem>>
      tpu.enqueue_dma source(%arg2 : memref<10240xf32, #tpu.memory_space<hbm>>) target(%arg6 : memref<10240xf32, #tpu.memory_space<vmem>>) target_semaphore(%run_scoped3A : memref<!tpu.dma_semaphore, #tpu.memory_space<semaphore_mem>>)
      tpu.wait_dma2 semaphore(%run_scoped3A : memref<!tpu.dma_semaphore, #tpu.memory_space<semaphore_mem>>) src(%arg2 : memref<10240xf32, #tpu.memory_space<hbm>>) dst(%arg6 : memref<10240xf32, #tpu.memory_space<vmem>>)
      tpu.yield
    }) : () -> ()
    %mul3A_7 = arith.constant 10240 : i32
    %mul3A_8 = arith.muli %add3A, %mul3A_7 : i32
    "tpu.region"() ({
      %run_scoped3A = tpu.sem_alloc : memref<!tpu.dma_semaphore, #tpu.memory_space<semaphore_mem>>
      %dma_start3A = tpu.memref_slice %arg3[%mul3A_8] : memref<327680xi32, #tpu.memory_space<hbm>> -> memref<10240xi32, #tpu.memory_space<hbm>>
      %dma_start3A_15 = tpu.memref_slice %arg3[%mul3A_8] : memref<327680xi32, #tpu.memory_space<hbm>> -> memref<10240xi32, #tpu.memory_space<hbm>>
      tpu.enqueue_dma source(%dma_start3A_15 : memref<10240xi32, #tpu.memory_space<hbm>>) target(%arg8 : memref<10240xi32, #tpu.memory_space<vmem>>) target_semaphore(%run_scoped3A : memref<!tpu.dma_semaphore, #tpu.memory_space<semaphore_mem>>)
      %dma_wait3A = tpu.memref_slice %arg3[%mul3A_8] : memref<327680xi32, #tpu.memory_space<hbm>> -> memref<10240xi32, #tpu.memory_space<hbm>>
      %dma_wait3A_16 = tpu.memref_slice %arg3[%mul3A_8] : memref<327680xi32, #tpu.memory_space<hbm>> -> memref<10240xi32, #tpu.memory_space<hbm>>
      tpu.wait_dma2 semaphore(%run_scoped3A : memref<!tpu.dma_semaphore, #tpu.memory_space<semaphore_mem>>) src(%dma_wait3A_16 : memref<10240xi32, #tpu.memory_space<hbm>>) dst(%arg8 : memref<10240xi32, #tpu.memory_space<vmem>>)
      tpu.yield
    }) : () -> ()
    "tpu.region"() ({
      %run_scoped3A = tpu.sem_alloc : memref<!tpu.dma_semaphore, #tpu.memory_space<semaphore_mem>>
      %dma_start3A = tpu.memref_slice %arg4[%mul3A_8] : memref<327680xi32, #tpu.memory_space<hbm>> -> memref<10240xi32, #tpu.memory_space<hbm>>
      %dma_start3A_15 = tpu.memref_slice %arg4[%mul3A_8] : memref<327680xi32, #tpu.memory_space<hbm>> -> memref<10240xi32, #tpu.memory_space<hbm>>
      tpu.enqueue_dma source(%dma_start3A_15 : memref<10240xi32, #tpu.memory_space<hbm>>) target(%arg9 : memref<10240xi32, #tpu.memory_space<vmem>>) target_semaphore(%run_scoped3A : memref<!tpu.dma_semaphore, #tpu.memory_space<semaphore_mem>>)
      %dma_wait3A = tpu.memref_slice %arg4[%mul3A_8] : memref<327680xi32, #tpu.memory_space<hbm>> -> memref<10240xi32, #tpu.memory_space<hbm>>
      %dma_wait3A_16 = tpu.memref_slice %arg4[%mul3A_8] : memref<327680xi32, #tpu.memory_space<hbm>> -> memref<10240xi32, #tpu.memory_space<hbm>>
      tpu.wait_dma2 semaphore(%run_scoped3A : memref<!tpu.dma_semaphore, #tpu.memory_space<semaphore_mem>>) src(%dma_wait3A_16 : memref<10240xi32, #tpu.memory_space<hbm>>) dst(%arg9 : memref<10240xi32, #tpu.memory_space<vmem>>)
      tpu.yield
    }) : () -> ()
    %scan3A_9 = arith.constant 0 : i32
    %scan3A_10 = arith.constant 0 : i32
    %scan3A_11 = arith.constant 80 : i32
    %scan3A_12 = arith.addi %scan3A_10, %scan3A_11 : i32
    %scan3A_13 = arith.constant 1 : i32
    scf.for %scan3A_15 = %scan3A_10 to %scan3A_12 step %scan3A_13  : i32 {
      %mul3A_16 = arith.constant 128 : i32
      %mul3A_17 = arith.muli %scan3A_15, %mul3A_16 : i32
      %add3A_18 = arith.constant 0 : i32
      %add3A_19 = arith.addi %mul3A_17, %add3A_18 : i32
      %get3A = arith.index_cast %add3A_19 : i32 to index
      %get3A_20 = tpu.vector_load %arg8[%get3A] {strides = array<i32>} : memref<10240xi32, #tpu.memory_space<vmem>>, vector<16xi32>,
      %mul3A_21 = arith.constant 128 : i32
      %mul3A_22 = arith.muli %scan3A_15, %mul3A_21 : i32
      %add3A_23 = arith.constant 0 : i32
      %add3A_24 = arith.addi %mul3A_22, %add3A_23 : i32
      %get3A_25 = arith.index_cast %add3A_24 : i32 to index
      %get3A_26 = tpu.vector_load %arg9[%get3A_25] {strides = array<i32>} : memref<10240xi32, #tpu.memory_space<vmem>>, vector<16xi32>,
      %gather3A = tpu.vector_load_idx %arg6[%get3A_20] : memref<10240xf32, #tpu.memory_space<vmem>>[vector<16xi32>], vector<16xf32>,
      tpu.vector_store_idx %arg7[%get3A_26], %gather3A {add = true} : memref<10240xf32, #tpu.memory_space<vmem>>[vector<16xi32>], vector<16xf32>,
      %mul3A_27 = arith.constant 128 : i32
      %mul3A_28 = arith.muli %scan3A_15, %mul3A_27 : i32
      %add3A_29 = arith.constant 16 : i32
      %add3A_30 = arith.addi %mul3A_28, %add3A_29 : i32
      %get3A_31 = arith.index_cast %add3A_30 : i32 to index
      %get3A_32 = tpu.vector_load %arg8[%get3A_31] {strides = array<i32>} : memref<10240xi32, #tpu.memory_space<vmem>>, vector<16xi32>,
      %mul3A_33 = arith.constant 128 : i32
      %mul3A_34 = arith.muli %scan3A_15, %mul3A_33 : i32
      %add3A_35 = arith.constant 16 : i32
      %add3A_36 = arith.addi %mul3A_34, %add3A_35 : i32
      %get3A_37 = arith.index_cast %add3A_36 : i32 to index
      %get3A_38 = tpu.vector_load %arg9[%get3A_37] {strides = array<i32>} : memref<10240xi32, #tpu.memory_space<vmem>>, vector<16xi32>,
      %gather3A_39 = tpu.vector_load_idx %arg6[%get3A_32] : memref<10240xf32, #tpu.memory_space<vmem>>[vector<16xi32>], vector<16xf32>,
      tpu.vector_store_idx %arg7[%get3A_38], %gather3A_39 {add = true} : memref<10240xf32, #tpu.memory_space<vmem>>[vector<16xi32>], vector<16xf32>,
      %mul3A_40 = arith.constant 128 : i32
      %mul3A_41 = arith.muli %scan3A_15, %mul3A_40 : i32
      %add3A_42 = arith.constant 32 : i32
      %add3A_43 = arith.addi %mul3A_41, %add3A_42 : i32
      %get3A_44 = arith.index_cast %add3A_43 : i32 to index
      %get3A_45 = tpu.vector_load %arg8[%get3A_44] {strides = array<i32>} : memref<10240xi32, #tpu.memory_space<vmem>>, vector<16xi32>,
      %mul3A_46 = arith.constant 128 : i32
      %mul3A_47 = arith.muli %scan3A_15, %mul3A_46 : i32
      %add3A_48 = arith.constant 32 : i32
      %add3A_49 = arith.addi %mul3A_47, %add3A_48 : i32
      %get3A_50 = arith.index_cast %add3A_49 : i32 to index
      %get3A_51 = tpu.vector_load %arg9[%get3A_50] {strides = array<i32>} : memref<10240xi32, #tpu.memory_space<vmem>>, vector<16xi32>,
      %gather3A_52 = tpu.vector_load_idx %arg6[%get3A_45] : memref<10240xf32, #tpu.memory_space<vmem>>[vector<16xi32>], vector<16xf32>,
      tpu.vector_store_idx %arg7[%get3A_51], %gather3A_52 {add = true} : memref<10240xf32, #tpu.memory_space<vmem>>[vector<16xi32>], vector<16xf32>,
      %mul3A_53 = arith.constant 128 : i32
      %mul3A_54 = arith.muli %scan3A_15, %mul3A_53 : i32
      %add3A_55 = arith.constant 48 : i32
      %add3A_56 = arith.addi %mul3A_54, %add3A_55 : i32
      %get3A_57 = arith.index_cast %add3A_56 : i32 to index
      %get3A_58 = tpu.vector_load %arg8[%get3A_57] {strides = array<i32>} : memref<10240xi32, #tpu.memory_space<vmem>>, vector<16xi32>,
      %mul3A_59 = arith.constant 128 : i32
      %mul3A_60 = arith.muli %scan3A_15, %mul3A_59 : i32
      %add3A_61 = arith.constant 48 : i32
      %add3A_62 = arith.addi %mul3A_60, %add3A_61 : i32
      %get3A_63 = arith.index_cast %add3A_62 : i32 to index
      %get3A_64 = tpu.vector_load %arg9[%get3A_63] {strides = array<i32>} : memref<10240xi32, #tpu.memory_space<vmem>>, vector<16xi32>,
      %gather3A_65 = tpu.vector_load_idx %arg6[%get3A_58] : memref<10240xf32, #tpu.memory_space<vmem>>[vector<16xi32>], vector<16xf32>,
      tpu.vector_store_idx %arg7[%get3A_64], %gather3A_65 {add = true} : memref<10240xf32, #tpu.memory_space<vmem>>[vector<16xi32>], vector<16xf32>,
      %mul3A_66 = arith.constant 128 : i32
      %mul3A_67 = arith.muli %scan3A_15, %mul3A_66 : i32
      %add3A_68 = arith.constant 64 : i32
      %add3A_69 = arith.addi %mul3A_67, %add3A_68 : i32
      %get3A_70 = arith.index_cast %add3A_69 : i32 to index
      %get3A_71 = tpu.vector_load %arg8[%get3A_70] {strides = array<i32>} : memref<10240xi32, #tpu.memory_space<vmem>>, vector<16xi32>,
      %mul3A_72 = arith.constant 128 : i32
      %mul3A_73 = arith.muli %scan3A_15, %mul3A_72 : i32
      %add3A_74 = arith.constant 64 : i32
      %add3A_75 = arith.addi %mul3A_73, %add3A_74 : i32
      %get3A_76 = arith.index_cast %add3A_75 : i32 to index
      %get3A_77 = tpu.vector_load %arg9[%get3A_76] {strides = array<i32>} : memref<10240xi32, #tpu.memory_space<vmem>>, vector<16xi32>,
      %gather3A_78 = tpu.vector_load_idx %arg6[%get3A_71] : memref<10240xf32, #tpu.memory_space<vmem>>[vector<16xi32>], vector<16xf32>,
      tpu.vector_store_idx %arg7[%get3A_77], %gather3A_78 {add = true} : memref<10240xf32, #tpu.memory_space<vmem>>[vector<16xi32>], vector<16xf32>,
      %mul3A_79 = arith.constant 128 : i32
      %mul3A_80 = arith.muli %scan3A_15, %mul3A_79 : i32
      %add3A_81 = arith.constant 80 : i32
      %add3A_82 = arith.addi %mul3A_80, %add3A_81 : i32
      %get3A_83 = arith.index_cast %add3A_82 : i32 to index
      %get3A_84 = tpu.vector_load %arg8[%get3A_83] {strides = array<i32>} : memref<10240xi32, #tpu.memory_space<vmem>>, vector<16xi32>,
      %mul3A_85 = arith.constant 128 : i32
      %mul3A_86 = arith.muli %scan3A_15, %mul3A_85 : i32
      %add3A_87 = arith.constant 80 : i32
      %add3A_88 = arith.addi %mul3A_86, %add3A_87 : i32
      %get3A_89 = arith.index_cast %add3A_88 : i32 to index
      %get3A_90 = tpu.vector_load %arg9[%get3A_89] {strides = array<i32>} : memref<10240xi32, #tpu.memory_space<vmem>>, vector<16xi32>,
      %gather3A_91 = tpu.vector_load_idx %arg6[%get3A_84] : memref<10240xf32, #tpu.memory_space<vmem>>[vector<16xi32>], vector<16xf32>,
      tpu.vector_store_idx %arg7[%get3A_90], %gather3A_91 {add = true} : memref<10240xf32, #tpu.memory_space<vmem>>[vector<16xi32>], vector<16xf32>,
      %mul3A_92 = arith.constant 128 : i32
      %mul3A_93 = arith.muli %scan3A_15, %mul3A_92 : i32
      %add3A_94 = arith.constant 96 : i32
      %add3A_95 = arith.addi %mul3A_93, %add3A_94 : i32
      %get3A_96 = arith.index_cast %add3A_95 : i32 to index
      %get3A_97 = tpu.vector_load %arg8[%get3A_96] {strides = array<i32>} : memref<10240xi32, #tpu.memory_space<vmem>>, vector<16xi32>,
      %mul3A_98 = arith.constant 128 : i32
      %mul3A_99 = arith.muli %scan3A_15, %mul3A_98 : i32
      %add3A_100 = arith.constant 96 : i32
      %add3A_101 = arith.addi %mul3A_99, %add3A_100 : i32
      %get3A_102 = arith.index_cast %add3A_101 : i32 to index
      %get3A_103 = tpu.vector_load %arg9[%get3A_102] {strides = array<i32>} : memref<10240xi32, #tpu.memory_space<vmem>>, vector<16xi32>,
      %gather3A_104 = tpu.vector_load_idx %arg6[%get3A_97] : memref<10240xf32, #tpu.memory_space<vmem>>[vector<16xi32>], vector<16xf32>,
      tpu.vector_store_idx %arg7[%get3A_103], %gather3A_104 {add = true} : memref<10240xf32, #tpu.memory_space<vmem>>[vector<16xi32>], vector<16xf32>,
      %mul3A_105 = arith.constant 128 : i32
      %mul3A_106 = arith.muli %scan3A_15, %mul3A_105 : i32
      %add3A_107 = arith.constant 112 : i32
      %add3A_108 = arith.addi %mul3A_106, %add3A_107 : i32
      %get3A_109 = arith.index_cast %add3A_108 : i32 to index
      %get3A_110 = tpu.vector_load %arg8[%get3A_109] {strides = array<i32>} : memref<10240xi32, #tpu.memory_space<vmem>>, vector<16xi32>,
      %mul3A_111 = arith.constant 128 : i32
      %mul3A_112 = arith.muli %scan3A_15, %mul3A_111 : i32
      %add3A_113 = arith.constant 112 : i32
      %add3A_114 = arith.addi %mul3A_112, %add3A_113 : i32
      %get3A_115 = arith.index_cast %add3A_114 : i32 to index
      %get3A_116 = tpu.vector_load %arg9[%get3A_115] {strides = array<i32>} : memref<10240xi32, #tpu.memory_space<vmem>>, vector<16xi32>,
      %gather3A_117 = tpu.vector_load_idx %arg6[%get3A_110] : memref<10240xf32, #tpu.memory_space<vmem>>[vector<16xi32>], vector<16xf32>,
      tpu.vector_store_idx %arg7[%get3A_116], %gather3A_117 {add = true} : memref<10240xf32, #tpu.memory_space<vmem>>[vector<16xi32>], vector<16xf32>,
    }
    %scan3A_14 = arith.constant 80 : i32
    "tpu.region"() ({
      %run_scoped3A = tpu.sem_alloc : memref<!tpu.dma_semaphore, #tpu.memory_space<semaphore_mem>>
      %dma_start3A = arith.constant 0 : i32
      %dma_start3A_15 = tpu.memref_slice %arg5[%add3A, %dma_start3A] : memref<32x10240xf32, #tpu.memory_space<hbm>> -> memref<1x10240xf32, #tpu.memory_space<hbm>>
      %dma_start3A_16 = tpu.memref_squeeze %dma_start3A_15 : memref<1x10240xf32, #tpu.memory_space<hbm>> -> memref<10240xf32, #tpu.memory_space<hbm>>
      %dma_start3A_17 = arith.constant 0 : i32
      %dma_start3A_18 = tpu.memref_slice %arg5[%add3A, %dma_start3A_17] : memref<32x10240xf32, #tpu.memory_space<hbm>> -> memref<1x10240xf32, #tpu.memory_space<hbm>>
      %dma_start3A_19 = tpu.memref_squeeze %dma_start3A_18 : memref<1x10240xf32, #tpu.memory_space<hbm>> -> memref<10240xf32, #tpu.memory_space<hbm>>
      tpu.enqueue_dma source(%arg7 : memref<10240xf32, #tpu.memory_space<vmem>>) target(%dma_start3A_19 : memref<10240xf32, #tpu.memory_space<hbm>>) target_semaphore(%run_scoped3A : memref<!tpu.dma_semaphore, #tpu.memory_space<semaphore_mem>>)
      %dma_wait3A = arith.constant 0 : i32
      %dma_wait3A_20 = tpu.memref_slice %arg5[%add3A, %dma_wait3A] : memref<32x10240xf32, #tpu.memory_space<hbm>> -> memref<1x10240xf32, #tpu.memory_space<hbm>>
      %dma_wait3A_21 = tpu.memref_squeeze %dma_wait3A_20 : memref<1x10240xf32, #tpu.memory_space<hbm>> -> memref<10240xf32, #tpu.memory_space<hbm>>
      %dma_wait3A_22 = arith.constant 0 : i32
      %dma_wait3A_23 = tpu.memref_slice %arg5[%add3A, %dma_wait3A_22] : memref<32x10240xf32, #tpu.memory_space<hbm>> -> memref<1x10240xf32, #tpu.memory_space<hbm>>
      %dma_wait3A_24 = tpu.memref_squeeze %dma_wait3A_23 : memref<1x10240xf32, #tpu.memory_space<hbm>> -> memref<10240xf32, #tpu.memory_space<hbm>>
      tpu.wait_dma2 semaphore(%run_scoped3A : memref<!tpu.dma_semaphore, #tpu.memory_space<semaphore_mem>>) src(%arg7 : memref<10240xf32, #tpu.memory_space<vmem>>) dst(%dma_wait3A_24 : memref<10240xf32, #tpu.memory_space<hbm>>)
      tpu.yield
    }) : () -> ()
    return
  }
}

module attributes {stable_mosaic.version = 14 : i64} {
  func.func @_tc_dense_body(%arg0: i32, %arg1: memref<2x1024x128xf32, #tpu.memory_space<vmem>>, %arg2: memref<32x1024xf32, #tpu.memory_space<vmem>>, %arg3: memref<1024x128xf32, #tpu.memory_space<vmem>>, %arg4: memref<128x128xf32, #tpu.memory_space<vmem>>, %arg5: memref<1x128xf32, #tpu.memory_space<vmem>>, %arg6: memref<128x128xf32, #tpu.memory_space<vmem>>, %arg7: memref<128x128xf32, #tpu.memory_space<vmem>>, %arg8: memref<1024x128xf32, #tpu.memory_space<vmem>>, %arg9: memref<1024x128xf32, #tpu.memory_space<vmem>>) attributes {dimension_semantics = [#tpu.dimension_semantics<arbitrary>], iteration_bounds = array<i64: 10>, scalar_prefetch = 0 : i64, scratch_operands = 0 : i64, tpu.core_type = #tpu.core_type<tc>, window_params = [{transform_indices = @transform_0, window_bounds = array<i64: 2, 1024, 128>}, {transform_indices = @transform_1, window_bounds = array<i64: 32, 1024>}, {transform_indices = @transform_2, window_bounds = array<i64: 1024, 128>}, {pipeline_mode = #tpu.pipeline_mode<synchronous>, transform_indices = @transform_3, window_bounds = array<i64: 128, 128>}, {pipeline_mode = #tpu.pipeline_mode<synchronous>, transform_indices = @transform_4, window_bounds = array<i64: 1, 128>}, {pipeline_mode = #tpu.pipeline_mode<synchronous>, transform_indices = @transform_5, window_bounds = array<i64: 128, 128>}, {pipeline_mode = #tpu.pipeline_mode<synchronous>, transform_indices = @transform_6, window_bounds = array<i64: 128, 128>}, {transform_indices = @transform_7, window_bounds = array<i64: 1024, 128>}, {transform_indices = @transform_8, window_bounds = array<i64: 1024, 128>}]} {
    %get3A = arith.constant 0 : index
    %get3A_0 = arith.constant 0 : index
    %get3A_1 = arith.constant 0 : index
    %get3A_2 = vector.load %arg1[%get3A, %get3A_0, %get3A_1] : memref<2x1024x128xf32, #tpu.memory_space<vmem>>, vector<1x1024x128xf32>
    %get3A_3 = vector.shape_cast %get3A_2 : vector<1x1024x128xf32> to vector<1024x128xf32>
    %get3A_4 = arith.constant 1 : index
    %get3A_5 = arith.constant 0 : index
    %get3A_6 = arith.constant 0 : index
    %get3A_7 = vector.load %arg1[%get3A_4, %get3A_5, %get3A_6] : memref<2x1024x128xf32, #tpu.memory_space<vmem>>, vector<1x1024x128xf32>
    %get3A_8 = vector.shape_cast %get3A_7 : vector<1x1024x128xf32> to vector<1024x128xf32>
    %add3A = arith.addf %get3A_3, %get3A_8 : vector<1024x128xf32>
    %get3A_9 = arith.constant 0 : index
    %get3A_10 = arith.constant 0 : index
    %get3A_11 = vector.load %arg2[%get3A_9, %get3A_10] : memref<32x1024xf32, #tpu.memory_space<vmem>>, vector<32x1024xf32>
    %reduce_sum3A = arith.constant dense<0.000000e+00> : vector<1024xf32>
    %reduce_sum3A_12 = vector.multi_reduction <add>, %get3A_11, %reduce_sum3A [0] : vector<32x1024xf32> to vector<1024xf32>
    %max3A = arith.constant 1.000000e+00 : f32
    %max3A_13 = vector.broadcast %max3A : f32 to vector<1024xf32>
    %max3A_14 = arith.maximumf %reduce_sum3A_12, %max3A_13 : vector<1024xf32>
    %broadcast_in_dim3A = vector.shape_cast %max3A_14 : vector<1024xf32> to vector<1024x1xf32>
    %div3A = vector.broadcast %broadcast_in_dim3A : vector<1024x1xf32> to vector<1024x128xf32>
    %div3A_15 = arith.divf %add3A, %div3A : vector<1024x128xf32>
    %get3A_16 = arith.constant 0 : index
    %get3A_17 = arith.constant 0 : index
    %get3A_18 = vector.load %arg4[%get3A_16, %get3A_17] : memref<128x128xf32, #tpu.memory_space<vmem>>, vector<128x128xf32>
    %dot_general3A = arith.constant dense<0.000000e+00> : vector<1024x128xf32>
    %dot_general3A_19 = tpu.matmul %div3A_15, %get3A_18, %dot_general3A {dimension_numbers = #tpu.dot_dimension_numbers<[1], [0], [0], [1], [0, 0, 1, 1], [], []>, transpose_lhs_hint = false} : vector<1024x128xf32>, vector<128x128xf32>, vector<1024x128xf32> -> vector<1024x128xf32>
    %get3A_20 = arith.constant 0 : index
    %get3A_21 = arith.constant 0 : index
    %get3A_22 = vector.load %arg5[%get3A_20, %get3A_21] : memref<1x128xf32, #tpu.memory_space<vmem>>, vector<1x128xf32>
    %add3A_23 = vector.broadcast %get3A_22 : vector<1x128xf32> to vector<1024x128xf32>
    %add3A_24 = arith.addf %dot_general3A_19, %add3A_23 : vector<1024x128xf32>
    %get3A_25 = arith.constant 0 : index
    %get3A_26 = arith.constant 0 : index
    %get3A_27 = vector.load %arg3[%get3A_25, %get3A_26] : memref<1024x128xf32, #tpu.memory_space<vmem>>, vector<1024x128xf32>
    %get3A_28 = arith.constant 0 : index
    %get3A_29 = arith.constant 0 : index
    %get3A_30 = vector.load %arg6[%get3A_28, %get3A_29] : memref<128x128xf32, #tpu.memory_space<vmem>>, vector<128x128xf32>
    %dot_general3A_31 = arith.constant dense<0.000000e+00> : vector<1024x128xf32>
    %dot_general3A_32 = tpu.matmul %get3A_27, %get3A_30, %dot_general3A_31 {dimension_numbers = #tpu.dot_dimension_numbers<[1], [0], [0], [1], [0, 0, 1, 1], [], []>, transpose_lhs_hint = false} : vector<1024x128xf32>, vector<128x128xf32>, vector<1024x128xf32> -> vector<1024x128xf32>
    %add3A_33 = arith.addf %add3A_24, %dot_general3A_32 : vector<1024x128xf32>
    %max3A_34 = arith.constant 0.000000e+00 : f32
    %max3A_35 = vector.broadcast %max3A_34 : f32 to vector<1024x128xf32>
    %max3A_36 = arith.maximumf %add3A_33, %max3A_35 : vector<1024x128xf32>
    %swap3A = arith.constant 0 : index
    %swap3A_37 = arith.constant 0 : index
    %swap3A_38 = vector.load %arg8[%swap3A, %swap3A_37] : memref<1024x128xf32, #tpu.memory_space<vmem>>, vector<1024x128xf32>
    tpu.vector_store %arg8[%swap3A, %swap3A_37], %max3A_36 {strides = array<i32>} : memref<1024x128xf32, #tpu.memory_space<vmem>>, vector<1024x128xf32>,
    %mul3A = arith.constant 1024 : i32
    %mul3A_39 = arith.muli %arg0, %mul3A : i32
    %iota3A = tpu.iota {dimensions = array<i32: 0>} : vector<1024x1xi32>
    %add3A_40 = vector.broadcast %mul3A_39 : i32 to vector<1024x1xi32>
    %add3A_41 = arith.addi %add3A_40, %iota3A : vector<1024x1xi32>
    %get3A_42 = arith.constant 0 : index
    %get3A_43 = arith.constant 0 : index
    %get3A_44 = vector.load %arg7[%get3A_42, %get3A_43] : memref<128x128xf32, #tpu.memory_space<vmem>>, vector<128x128xf32>
    %dot_general3A_45 = arith.constant dense<0.000000e+00> : vector<1024x128xf32>
    %dot_general3A_46 = tpu.matmul %max3A_36, %get3A_44, %dot_general3A_45 {dimension_numbers = #tpu.dot_dimension_numbers<[1], [0], [0], [1], [0, 0, 1, 1], [], []>, transpose_lhs_hint = false} : vector<1024x128xf32>, vector<128x128xf32>, vector<1024x128xf32> -> vector<1024x128xf32>
    %lt3A = arith.constant 10000 : i32
    %lt3A_47 = vector.broadcast %lt3A : i32 to vector<1024x1xi32>
    %lt3A_48 = arith.cmpi slt, %add3A_41, %lt3A_47 : vector<1024x1xi32>
    %jit3A = arith.constant 0.000000e+00 : f32
    %broadcast_in_dim3A_49 = vector.shape_cast %lt3A_48 : vector<1024x1xi1> to vector<1024x1xi1>
    %broadcast_in_dim3A_50 = vector.broadcast %broadcast_in_dim3A_49 : vector<1024x1xi1> to vector<1024x128xi1>
    %broadcast_in_dim3A_51 = vector.broadcast %jit3A : f32 to vector<1024x128xf32>
    %select_n3A = arith.select %broadcast_in_dim3A_50, %dot_general3A_46, %broadcast_in_dim3A_51 : vector<1024x128xi1>, vector<1024x128xf32>
    %swap3A_52 = arith.constant 0 : index
    %swap3A_53 = arith.constant 0 : index
    %swap3A_54 = vector.load %arg9[%swap3A_52, %swap3A_53] : memref<1024x128xf32, #tpu.memory_space<vmem>>, vector<1024x128xf32>
    tpu.vector_store %arg9[%swap3A_52, %swap3A_53], %select_n3A {strides = array<i32>} : memref<1024x128xf32, #tpu.memory_space<vmem>>, vector<1024x128xf32>,
    return
  }
  func.func @transform_0(%arg0: i32) -> (i32, i32, i32) {
    %c0_i32 = arith.constant 0 : i32
    %c0_i32_0 = arith.constant 0 : i32
    %c0_i32_1 = arith.constant 0 : i32
    return %c0_i32, %arg0, %c0_i32_0 : i32, i32, i32
  }
  func.func @transform_1(%arg0: i32) -> (i32, i32) {
    %c0_i32 = arith.constant 0 : i32
    %c0_i32_0 = arith.constant 0 : i32
    return %c0_i32, %arg0 : i32, i32
  }
  func.func @transform_2(%arg0: i32) -> (i32, i32) {
    %c0_i32 = arith.constant 0 : i32
    %c0_i32_0 = arith.constant 0 : i32
    return %arg0, %c0_i32 : i32, i32
  }
  func.func @transform_3(%arg0: i32) -> (i32, i32) {
    %c0_i32 = arith.constant 0 : i32
    %c0_i32_0 = arith.constant 0 : i32
    %c0_i32_1 = arith.constant 0 : i32
    return %c0_i32, %c0_i32_0 : i32, i32
  }
  func.func @transform_4(%arg0: i32) -> (i32, i32) {
    %c0_i32 = arith.constant 0 : i32
    %c0_i32_0 = arith.constant 0 : i32
    %c0_i32_1 = arith.constant 0 : i32
    return %c0_i32, %c0_i32_0 : i32, i32
  }
  func.func @transform_5(%arg0: i32) -> (i32, i32) {
    %c0_i32 = arith.constant 0 : i32
    %c0_i32_0 = arith.constant 0 : i32
    %c0_i32_1 = arith.constant 0 : i32
    return %c0_i32, %c0_i32_0 : i32, i32
  }
  func.func @transform_6(%arg0: i32) -> (i32, i32) {
    %c0_i32 = arith.constant 0 : i32
    %c0_i32_0 = arith.constant 0 : i32
    %c0_i32_1 = arith.constant 0 : i32
    return %c0_i32, %c0_i32_0 : i32, i32
  }
  func.func @transform_7(%arg0: i32) -> (i32, i32) {
    %c0_i32 = arith.constant 0 : i32
    %c0_i32_0 = arith.constant 0 : i32
    return %arg0, %c0_i32 : i32, i32
  }
  func.func @transform_8(%arg0: i32) -> (i32, i32) {
    %c0_i32 = arith.constant 0 : i32
    %c0_i32_0 = arith.constant 0 : i32
    return %arg0, %c0_i32 : i32, i32
  }
}

module attributes {stable_mosaic.version = 14 : i64} {
  func.func @_tc_final_body(%arg0: memref<32x80x128xf32, #tpu.memory_space<vmem>>, %arg1: memref<80x128xf32, #tpu.memory_space<vmem>>, %arg2: memref<80x128xf32, #tpu.memory_space<vmem>>, %arg3: memref<80x128x128xf32, #tpu.memory_space<vmem>>, %arg4: memref<1x1xf32, #tpu.memory_space<vmem>>, %arg5: memref<1x1xf32, #tpu.memory_space<vmem>>, %arg6: memref<1x128xf32, #tpu.memory_space<vmem>>, %arg7: memref<80x128xf32, #tpu.memory_space<vmem>>) attributes {dimension_semantics = [], scalar_prefetch = 0 : i64, scratch_operands = 1 : i64, tpu.core_type = #tpu.core_type<tc>} {
    %get3A = arith.constant 0 : index
    %get3A_0 = arith.constant 0 : index
    %get3A_1 = arith.constant 0 : index
    %get3A_2 = vector.load %arg0[%get3A, %get3A_0, %get3A_1] : memref<32x80x128xf32, #tpu.memory_space<vmem>>, vector<32x80x128xf32>
    %reduce_sum3A = arith.constant dense<0.000000e+00> : vector<80x128xf32>
    %reduce_sum3A_3 = vector.multi_reduction <add>, %get3A_2, %reduce_sum3A [0] : vector<32x80x128xf32> to vector<80x128xf32>
    %get3A_4 = arith.constant 0 : index
    %get3A_5 = arith.constant 0 : index
    %get3A_6 = vector.load %arg4[%get3A_4, %get3A_5] : memref<1x1xf32, #tpu.memory_space<vmem>>, vector<1x1xf32>
    %get3A_7 = vector.extract %get3A_6[0, 0] : f32 from vector<1x1xf32>
    %add3A = vector.broadcast %get3A_7 : f32 to vector<80x128xf32>
    %add3A_8 = arith.addf %reduce_sum3A_3, %add3A : vector<80x128xf32>
    %get3A_9 = arith.constant 0 : index
    %get3A_10 = arith.constant 0 : index
    %get3A_11 = vector.load %arg1[%get3A_9, %get3A_10] : memref<80x128xf32, #tpu.memory_space<vmem>>, vector<80x128xf32>
    %add3A_12 = arith.addf %add3A_8, %get3A_11 : vector<80x128xf32>
    %tanh3A = math.tanh %add3A_12 : vector<80x128xf32>
    %iota3A = tpu.iota {dimensions = array<i32: 0>} : vector<80x128xi32>
    %mul3A = arith.constant 128 : i32
    %mul3A_13 = vector.broadcast %mul3A : i32 to vector<80x128xi32>
    %mul3A_14 = arith.muli %iota3A, %mul3A_13 : vector<80x128xi32>
    %iota3A_15 = tpu.iota {dimensions = array<i32: 1>} : vector<80x128xi32>
    %add3A_16 = arith.addi %mul3A_14, %iota3A_15 : vector<80x128xi32>
    %lt3A = arith.constant 10000 : i32
    %lt3A_17 = vector.broadcast %lt3A : i32 to vector<80x128xi32>
    %lt3A_18 = arith.cmpi slt, %add3A_16, %lt3A_17 : vector<80x128xi32>
    %jit3A = arith.constant -2.000000e+00 : f32
    %broadcast_in_dim3A = vector.broadcast %jit3A : f32 to vector<80x128xf32>
    %select_n3A = arith.select %lt3A_18, %tanh3A, %broadcast_in_dim3A : vector<80x128xi1>, vector<80x128xf32>
    %bitcast_convert_type3A = tpu.bitcast %select_n3A : vector<80x128xf32> -> vector<80x128xi32>
    %ge3A = arith.constant 0 : i32
    %ge3A_19 = vector.broadcast %ge3A : i32 to vector<80x128xi32>
    %ge3A_20 = arith.cmpi sge, %bitcast_convert_type3A, %ge3A_19 : vector<80x128xi32>
    %not3A = arith.constant dense<-1> : vector<80x128xi32>
    %not3A_21 = arith.xori %bitcast_convert_type3A, %not3A : vector<80x128xi32>
    %xor3A = arith.constant -2147483648 : i32
    %xor3A_22 = vector.broadcast %xor3A : i32 to vector<80x128xi32>
    %xor3A_23 = arith.xori %not3A_21, %xor3A_22 : vector<80x128xi32>
    %select_n3A_24 = arith.select %ge3A_20, %bitcast_convert_type3A, %xor3A_23 : vector<80x128xi1>, vector<80x128xi32>
    %scan3A = arith.constant -2147483648 : i32
    %scan3A_25 = arith.constant 0 : i32
    %scan3A_26 = arith.constant 32 : i32
    %scan3A_27 = arith.addi %scan3A_25, %scan3A_26 : i32
    %scan3A_28 = arith.constant 1 : i32
    %scan3A_29 = scf.for %scan3A_117 = %scan3A_25 to %scan3A_27 step %scan3A_28 iter_args(%scan3A_118 = %scan3A) -> (i32)  : i32 {
      %sub3A_119 = arith.constant 31 : i32
      %sub3A_120 = arith.subi %sub3A_119, %scan3A_117 : i32
      %shift_left3A = arith.constant 1 : i32
      %shift_left3A_121 = arith.shli %shift_left3A, %sub3A_120 : i32
      %xor3A_122 = arith.xori %scan3A_118, %shift_left3A_121 : i32
      %ge3A_123 = vector.broadcast %xor3A_122 : i32 to vector<80x128xi32>
      %ge3A_124 = arith.cmpi sge, %select_n3A_24, %ge3A_123 : vector<80x128xi32>
      %jit3A_125 = arith.constant 1.000000e+00 : f32
      %jit3A_126 = arith.constant 0.000000e+00 : f32
      %broadcast_in_dim3A_127 = vector.broadcast %jit3A_125 : f32 to vector<80x128xf32>
      %broadcast_in_dim3A_128 = vector.broadcast %jit3A_126 : f32 to vector<80x128xf32>
      %select_n3A_129 = arith.select %ge3A_124, %broadcast_in_dim3A_127, %broadcast_in_dim3A_128 : vector<80x128xi1>, vector<80x128xf32>
      %reduce_sum3A_130 = vector.shape_cast %select_n3A_129 : vector<80x128xf32> to vector<1x80x128xf32>
      %reduce_sum3A_131 = arith.constant dense<0.000000e+00> : vector<1xf32>
      %reduce_sum3A_132 = vector.multi_reduction <add>, %reduce_sum3A_130, %reduce_sum3A_131 [1, 2] : vector<1x80x128xf32> to vector<1xf32>
      %reduce_sum3A_133 = vector.shape_cast %reduce_sum3A_132 : vector<1xf32> to vector<1x1x1xf32>
      %reduce_sum3A_134 = vector.extract %reduce_sum3A_133[0, 0, 0] : f32 from vector<1x1x1xf32>
      %ge3A_135 = arith.constant 8.000000e+03 : f32
      %ge3A_136 = arith.cmpf oge, %reduce_sum3A_134, %ge3A_135 : f32
      %select_n3A_137 = arith.select %ge3A_136, %xor3A_122, %scan3A_118 : i32
      scf.yield %select_n3A_137 : i32
    }
    %scan3A_30 = arith.constant 32 : i32
    %gt3A = vector.broadcast %scan3A_29 : i32 to vector<80x128xi32>
    %gt3A_31 = arith.cmpi sgt, %select_n3A_24, %gt3A : vector<80x128xi32>
    %eq3A = vector.broadcast %scan3A_29 : i32 to vector<80x128xi32>
    %eq3A_32 = arith.cmpi eq, %select_n3A_24, %eq3A : vector<80x128xi32>
    %jit3A_33 = arith.constant 1.000000e+00 : f32
    %jit3A_34 = arith.constant 0.000000e+00 : f32
    %broadcast_in_dim3A_35 = vector.broadcast %jit3A_33 : f32 to vector<80x128xf32>
    %broadcast_in_dim3A_36 = vector.broadcast %jit3A_34 : f32 to vector<80x128xf32>
    %select_n3A_37 = arith.select %gt3A_31, %broadcast_in_dim3A_35, %broadcast_in_dim3A_36 : vector<80x128xi1>, vector<80x128xf32>
    %reduce_sum3A_38 = vector.shape_cast %select_n3A_37 : vector<80x128xf32> to vector<1x80x128xf32>
    %reduce_sum3A_39 = arith.constant dense<0.000000e+00> : vector<1xf32>
    %reduce_sum3A_40 = vector.multi_reduction <add>, %reduce_sum3A_38, %reduce_sum3A_39 [1, 2] : vector<1x80x128xf32> to vector<1xf32>
    %reduce_sum3A_41 = vector.shape_cast %reduce_sum3A_40 : vector<1xf32> to vector<1x1x1xf32>
    %reduce_sum3A_42 = vector.extract %reduce_sum3A_41[0, 0, 0] : f32 from vector<1x1x1xf32>
    %sub3A = arith.constant 8.000000e+03 : f32
    %sub3A_43 = arith.subf %sub3A, %reduce_sum3A_42 : f32
    %jit3A_44 = arith.constant 1.000000e+00 : f32
    %jit3A_45 = arith.constant 0.000000e+00 : f32
    %broadcast_in_dim3A_46 = vector.broadcast %jit3A_44 : f32 to vector<80x128xf32>
    %broadcast_in_dim3A_47 = vector.broadcast %jit3A_45 : f32 to vector<80x128xf32>
    %select_n3A_48 = arith.select %eq3A_32, %broadcast_in_dim3A_46, %broadcast_in_dim3A_47 : vector<80x128xi1>, vector<80x128xf32>
    %iota3A_49 = tpu.iota {dimensions = array<i32: 0>} : vector<128x128xi32>
    %iota3A_50 = tpu.iota {dimensions = array<i32: 1>} : vector<128x128xi32>
    %lt3A_51 = arith.cmpi slt, %iota3A_49, %iota3A_50 : vector<128x128xi32>
    %jit3A_52 = arith.constant 1.000000e+00 : f32
    %jit3A_53 = arith.constant 0.000000e+00 : f32
    %broadcast_in_dim3A_54 = vector.broadcast %jit3A_52 : f32 to vector<128x128xf32>
    %broadcast_in_dim3A_55 = vector.broadcast %jit3A_53 : f32 to vector<128x128xf32>
    %select_n3A_56 = arith.select %lt3A_51, %broadcast_in_dim3A_54, %broadcast_in_dim3A_55 : vector<128x128xi1>, vector<128x128xf32>
    %dot_general3A = arith.constant dense<0.000000e+00> : vector<80x128xf32>
    %dot_general3A_57 = tpu.matmul %select_n3A_48, %select_n3A_56, %dot_general3A {dimension_numbers = #tpu.dot_dimension_numbers<[1], [0], [0], [1], [0, 0, 1, 1], [], []>, transpose_lhs_hint = false} : vector<80x128xf32>, vector<128x128xf32>, vector<80x128xf32> -> vector<80x128xf32>
    %reduce_sum3A_58 = arith.constant dense<0.000000e+00> : vector<80xf32>
    %reduce_sum3A_59 = vector.multi_reduction <add>, %select_n3A_48, %reduce_sum3A_58 [1] : vector<80x128xf32> to vector<80xf32>
    %broadcast_in_dim3A_60 = vector.shape_cast %reduce_sum3A_59 : vector<80xf32> to vector<80x1xf32>
    %iota3A_61 = tpu.iota {dimensions = array<i32: 0>} : vector<80x80xi32>
    %iota3A_62 = tpu.iota {dimensions = array<i32: 1>} : vector<80x80xi32>
    %lt3A_63 = arith.cmpi slt, %iota3A_62, %iota3A_61 : vector<80x80xi32>
    %jit3A_64 = arith.constant 1.000000e+00 : f32
    %jit3A_65 = arith.constant 0.000000e+00 : f32
    %broadcast_in_dim3A_66 = vector.broadcast %jit3A_64 : f32 to vector<80x80xf32>
    %broadcast_in_dim3A_67 = vector.broadcast %jit3A_65 : f32 to vector<80x80xf32>
    %select_n3A_68 = arith.select %lt3A_63, %broadcast_in_dim3A_66, %broadcast_in_dim3A_67 : vector<80x80xi1>, vector<80x80xf32>
    %dot_general3A_69 = arith.constant dense<0.000000e+00> : vector<80x1xf32>
    %dot_general3A_70 = tpu.matmul %select_n3A_68, %broadcast_in_dim3A_60, %dot_general3A_69 {dimension_numbers = #tpu.dot_dimension_numbers<[1], [0], [0], [1], [0, 0, 1, 1], [], []>, transpose_lhs_hint = false} : vector<80x80xf32>, vector<80x1xf32>, vector<80x1xf32> -> vector<80x1xf32>
    %add3A_71 = vector.broadcast %dot_general3A_70 : vector<80x1xf32> to vector<80x128xf32>
    %add3A_72 = arith.addf %dot_general3A_57, %add3A_71 : vector<80x128xf32>
    %lt3A_73 = vector.broadcast %sub3A_43 : f32 to vector<80x128xf32>
    %lt3A_74 = arith.cmpf olt, %add3A_72, %lt3A_73 : vector<80x128xf32>
    %and3A = arith.andi %eq3A_32, %lt3A_74 : vector<80x128xi1>
    %or3A = arith.ori %gt3A_31, %and3A : vector<80x128xi1>
    %get3A_75 = arith.constant 0 : index
    %get3A_76 = arith.constant 0 : index
    %get3A_77 = vector.load %arg2[%get3A_75, %get3A_76] : memref<80x128xf32, #tpu.memory_space<vmem>>, vector<80x128xf32>
    %mul3A_78 = arith.mulf %select_n3A, %get3A_77 : vector<80x128xf32>
    %get3A_79 = arith.constant 0 : index
    %get3A_80 = arith.constant 0 : index
    %get3A_81 = vector.load %arg5[%get3A_79, %get3A_80] : memref<1x1xf32, #tpu.memory_space<vmem>>, vector<1x1xf32>
    %get3A_82 = vector.extract %get3A_81[0, 0] : f32 from vector<1x1xf32>
    %add3A_83 = vector.broadcast %get3A_82 : f32 to vector<80x128xf32>
    %add3A_84 = arith.addf %mul3A_78, %add3A_83 : vector<80x128xf32>
    %jit3A_85 = arith.constant 0xFF800000 : f32
    %broadcast_in_dim3A_86 = vector.broadcast %jit3A_85 : f32 to vector<80x128xf32>
    %select_n3A_87 = arith.select %or3A, %add3A_84, %broadcast_in_dim3A_86 : vector<80x128xi1>, vector<80x128xf32>
    %reduce_max3A = vector.shape_cast %select_n3A_87 : vector<80x128xf32> to vector<1x80x128xf32>
    %reduce_max3A_88 = arith.constant dense<0xFF800000> : vector<1xf32>
    %reduce_max3A_89 = vector.multi_reduction <maximumf>, %reduce_max3A, %reduce_max3A_88 [1, 2] : vector<1x80x128xf32> to vector<1xf32>
    %reduce_max3A_90 = vector.shape_cast %reduce_max3A_89 : vector<1xf32> to vector<1x1x1xf32>
    %reduce_max3A_91 = vector.extract %reduce_max3A_90[0, 0, 0] : f32 from vector<1x1x1xf32>
    %sub3A_92 = vector.broadcast %reduce_max3A_91 : f32 to vector<80x128xf32>
    %sub3A_93 = arith.subf %add3A_84, %sub3A_92 : vector<80x128xf32>
    %exp3A = math.exp %sub3A_93 : vector<80x128xf32>
    %jit3A_94 = arith.constant 0.000000e+00 : f32
    %broadcast_in_dim3A_95 = vector.broadcast %jit3A_94 : f32 to vector<80x128xf32>
    %select_n3A_96 = arith.select %or3A, %exp3A, %broadcast_in_dim3A_95 : vector<80x128xi1>, vector<80x128xf32>
    %reduce_sum3A_97 = vector.shape_cast %select_n3A_96 : vector<80x128xf32> to vector<1x80x128xf32>
    %reduce_sum3A_98 = arith.constant dense<0.000000e+00> : vector<1xf32>
    %reduce_sum3A_99 = vector.multi_reduction <add>, %reduce_sum3A_97, %reduce_sum3A_98 [1, 2] : vector<1x80x128xf32> to vector<1xf32>
    %reduce_sum3A_100 = vector.shape_cast %reduce_sum3A_99 : vector<1xf32> to vector<1x1x1xf32>
    %reduce_sum3A_101 = vector.extract %reduce_sum3A_100[0, 0, 0] : f32 from vector<1x1x1xf32>
    %mul3A_102 = arith.mulf %select_n3A_96, %select_n3A : vector<80x128xf32>
    %div3A = vector.broadcast %reduce_sum3A_101 : f32 to vector<80x128xf32>
    %div3A_103 = arith.divf %mul3A_102, %div3A : vector<80x128xf32>
    %swap3A = arith.constant 0 : index
    %swap3A_104 = arith.constant 0 : index
    %swap3A_105 = vector.load %arg7[%swap3A, %swap3A_104] : memref<80x128xf32, #tpu.memory_space<vmem>>, vector<80x128xf32>
    tpu.vector_store %arg7[%swap3A, %swap3A_104], %div3A_103 {strides = array<i32>} : memref<80x128xf32, #tpu.memory_space<vmem>>, vector<80x128xf32>,
    %broadcast_in_dim3A_106 = arith.constant 0.000000e+00 : f32
    %broadcast_in_dim3A_107 = vector.broadcast %broadcast_in_dim3A_106 : f32 to vector<1x128xf32>
    %scan3A_108 = arith.constant 0 : i32
    %scan3A_109 = arith.constant 80 : i32
    %scan3A_110 = arith.addi %scan3A_108, %scan3A_109 : i32
    %scan3A_111 = arith.constant 1 : i32
    %scan3A_112 = scf.for %scan3A_117 = %scan3A_108 to %scan3A_110 step %scan3A_111 iter_args(%scan3A_118 = %broadcast_in_dim3A_107) -> (vector<1x128xf32>)  : i32 {
      %get3A_119 = arith.index_cast %scan3A_117 : i32 to index
      %get3A_120 = arith.constant 0 : index
      %get3A_121 = vector.load %arg7[%get3A_119, %get3A_120] : memref<80x128xf32, #tpu.memory_space<vmem>>, vector<1x128xf32>
      %get3A_122 = vector.shape_cast %get3A_121 : vector<1x128xf32> to vector<128xf32>
      %broadcast_in_dim3A_123 = vector.shape_cast %get3A_122 : vector<128xf32> to vector<1x128xf32>
      %get3A_124 = arith.index_cast %scan3A_117 : i32 to index
      %get3A_125 = arith.constant 0 : index
      %get3A_126 = arith.constant 0 : index
      %get3A_127 = vector.load %arg3[%get3A_124, %get3A_125, %get3A_126] : memref<80x128x128xf32, #tpu.memory_space<vmem>>, vector<1x128x128xf32>
      %get3A_128 = vector.shape_cast %get3A_127 : vector<1x128x128xf32> to vector<128x128xf32>
      %dot_general3A_129 = arith.constant dense<0.000000e+00> : vector<1x128xf32>
      %dot_general3A_130 = tpu.matmul %broadcast_in_dim3A_123, %get3A_128, %dot_general3A_129 {dimension_numbers = #tpu.dot_dimension_numbers<[1], [0], [0], [1], [0, 0, 1, 1], [], []>, transpose_lhs_hint = false} : vector<1x128xf32>, vector<128x128xf32>, vector<1x128xf32> -> vector<1x128xf32>
      %add3A_131 = arith.addf %scan3A_118, %dot_general3A_130 : vector<1x128xf32>
      scf.yield %add3A_131 : vector<1x128xf32>
    }
    %scan3A_113 = arith.constant 80 : i32
    %swap3A_114 = arith.constant 0 : index
    %swap3A_115 = arith.constant 0 : index
    %swap3A_116 = vector.load %arg6[%swap3A_114, %swap3A_115] : memref<1x128xf32, #tpu.memory_space<vmem>>, vector<1x128xf32>
    tpu.vector_store %arg6[%swap3A_114, %swap3A_115], %scan3A_112 {strides = array<i32>} : memref<1x128xf32, #tpu.memory_space<vmem>>, vector<1x128xf32>,
    return
  }
}

</mosaic_0001>

<sc_bundles>
// kernel: kernel.6.cloned.1.call-start
scs
__scs_entry_jumppad:
0x0: {  	(pc) =	sbr.rel $0x88, $3  }
0x1: {  	(tag) =	ssettag $0x0;
	lr =	simm.s32 $0x1  }
0x2: {  	[smem:$0x3F97] =	sst lr;
	_ =	strace $0xD0000000  }
0x3: {  	_ = 	snop  }
0x4: {  	_ = 	snop  }
0x5: {  	_ = 	snop  }
0x6: {  	_ = 	snop  }
0x7: {  	_ = 	snop  }
__scs_overlays_trampoline_lowered:
0x8: {  	[smem:$0x3FA6] =	sst s0  }
0x9: {  	[smem:$0x3FA7] =	sst s1  }
0xa: {  	[smem:$0x3FA8] =	sst s2  }
0xb: {  	[smem:$0x3FA9] =	sst s3  }
0xc: {  	[smem:$0x3FAA] =	sst s4  }
0xd: {  	[smem:$0x3FAB] =	sst s5  }
0xe: {  	[smem:$0x3FAC] =	sst s6  }
0xf: {  	[smem:$0x3FAD] =	sst s7  }
0x10: {  	[smem:$0x3FAE] =	sst s8  }
0x11: {  	[smem:$0x3FAF] =	sst s9;
	s0 =	simm.s32 @!p0 $0x0  }
0x12: {  	s1 =	sld [smem:$0x3F95];
	s0 =	simm.s32 @p0 $0x1  }
0x13: {  	[smem:$0x3FB0] =	sst s0;
	s0 =	simm.s32 @!p1 $0x0  }
0x14: {  	s2 =	sld [smem:$0x3F94];
	s0 =	simm.s32 @p1 $0x1  }
0x15: {  	[smem:$0x3FB1] =	sst s0;
	s0 =	simm.s32 @!p2 $0x0  }
0x16: {  	s3 =	sld [smem:$0x3FDB];
	s0 =	simm.s32 @p2 $0x1  }
0x17: {  	s4 =	simm.s32 $0x1BF5;
	[smem:$0x3FB3] =	sst s0  }
0x18: {  	s0 =	sld [smem:$0x3F96];
	_ =	swait.ge [sflag:s4], $0x0  }
0x19: {  	s7 =	sld [smem:$0x3F97]  }
0x1a: {  	s8 =	sadd.s32 $0xFFFFE003, lr  }
0x1b: {  	s9 =	sadd.s32 $0xFFFFFEF7, lr;
	s5 =	simm.s32 $0xFFFFFFFF;
	p2 =	slt.u32 s8, $0xFFFFF086  }
0x1c: {  	p1 =	slt.u32 s9, $0xF7A;
	s5 =	simm.s32 @!p2 $0x0  }
0x1d: {  	s5 =	simm.s32 @p1 $0x1;
	p0 =	seq.s32 s7, s2  }
0x1e: {  	s7 =	smul.u32 @!p0 $0xF7A, s2;
	p2 =	seq.s32 @!p0 s5, $0x0  }
0x1f: {  	s9 =	smul.u32 $0xF7A, s1;
	s8 =	simm.s32 @!p0 $0x1BF5;
	p2 =	por !p2, p0  }
0x20: {  	[sflag:s8] =	ssyncset.s32 @!p0 $0xFFFFF086;
	s6 =	sadd.s32 @!p0 s3, s7;
	s7 =	simm.s32 @!p0 $0x108  }
0x21: {  	s3 =	sadd.s32 s3, s9;
	s6 =	sadd.s32 @!p0 $0x88, s6;
	s7 =	simm.s32 @p2 $0x1082  }
0x22: {  	[simem:s7], [sflag:s8] =	dma.local @!p0 [hbm:s6], $0xF7A  }
0x23: {  	s9 =	sor.u32 $0xD0000000, s2;
	s6 =	simm.s32 $0x108;
	_ =	swait.ge @!p0 [sflag:s8], $0x0  }
0x24: {  	s3 =	sadd.s32 $0x88, s3;
	s6 =	simm.s32 @!p1 $0x1082;
	[sflag:s4] =	ssyncset.s32 $0xFFFFF086  }
0x25: {  	[simem:s6], [sflag:s4] =	dma.local [hbm:s3], $0xF7A  }
0x26: {  	[smem:$0x3F97] =	sst s1;
	(tag) =	ssettag s2;
	_ =	strace s9  }
0x27: {  	s1 =	sld [smem:$0x3FA7]  }
0x28: {  	s2 =	sld [smem:$0x3FA8]  }
0x29: {  	s4 =	sld [smem:$0x3FAA]  }
0x2a: {  	p0 =	seq.s32 s5, $0x0;
	s5 =	sld [smem:$0x3FAB]  }
0x2b: {  	s6 =	sld [smem:$0x3FAC]  }
0x2c: {  	s7 =	sld [smem:$0x3FAD]  }
0x2d: {  	s3 =	simm.s32 $0x108;
	s8 =	sld [smem:$0x3FAE]  }
0x2e: {  	s3 =	simm.s32 @!p0 $0x1082;
	s9 =	sld [smem:$0x3FAF]  }
0x2f: {  	lr =	sadd.s32 s0, s3;
	s0 =	sld [smem:$0x3FA6]  }
0x30: {  	s3 =	sld [smem:$0x3FA9]  }
0x31: {  	[smem:$0x3FB2] =	sst s10  }
0x32: {  	s10 =	sld [smem:$0x3FB0];
	_ =	sdelay $0x3  }
0x33: {  	p0 =	seq.s32 s10, $0x1;
	s10 =	sld [smem:$0x3FB2];
	_ =	sdelay $0x3  }
0x34: {  	[smem:$0x3FB2] =	sst s10  }
0x35: {  	s10 =	sld [smem:$0x3FB1];
	_ =	sdelay $0x3  }
0x36: {  	p1 =	seq.s32 s10, $0x1;
	s10 =	sld [smem:$0x3FB2];
	_ =	sdelay $0x3  }
0x37: {  	[smem:$0x3FB2] =	sst s10  }
0x38: {  	s10 =	sld [smem:$0x3FB3]  }
0x39: {  	_ = 	snop;
	(pc) =	sbr.ind lr, $3  }
0x3a: {  	_ = 	snop  }
0x3b: {  	_ = 	snop  }
0x3c: {  	p2 =	seq.s32 s10, $0x1;
	s10 =	sld [smem:$0x3FB2]  }
0x3d: {  	_ =	shalt  }
0x3e: {  	_ =	shalt  }
0x3f: {  	_ =	shalt  }
0x40: {  	_ =	shalt  }
0x41: {  	_ =	shalt  }
0x42: {  	_ =	shalt  }
0x43: {  	_ =	shalt  }
0x44: {  	_ =	shalt  }
0x45: {  	_ =	shalt  }
0x46: {  	_ =	shalt  }
0x47: {  	_ =	shalt  }
0x48: {  	_ =	shalt  }
0x49: {  	_ =	shalt  }
0x4a: {  	_ =	shalt  }
0x4b: {  	_ =	shalt  }
0x4c: {  	_ =	shalt  }
0x4d: {  	_ =	shalt  }
0x4e: {  	_ =	shalt  }
0x4f: {  	_ =	shalt  }
0x50: {  	_ =	shalt  }
0x51: {  	_ =	shalt  }
0x52: {  	_ =	shalt  }
0x53: {  	_ =	shalt  }
0x54: {  	_ =	shalt  }
0x55: {  	_ =	shalt  }
0x56: {  	_ =	shalt  }
0x57: {  	_ =	shalt  }
0x58: {  	_ =	shalt  }
0x59: {  	_ =	shalt  }
0x5a: {  	_ =	shalt  }
0x5b: {  	_ =	shalt  }
0x5c: {  	_ =	shalt  }
0x5d: {  	_ =	shalt  }
0x5e: {  	_ =	shalt  }
0x5f: {  	_ =	shalt  }
0x60: {  	_ =	shalt  }
0x61: {  	_ =	shalt  }
0x62: {  	_ =	shalt  }
0x63: {  	_ =	shalt  }
0x64: {  	_ =	shalt  }
0x65: {  	_ =	shalt  }
0x66: {  	_ =	shalt  }
0x67: {  	_ =	shalt  }
0x68: {  	_ =	shalt  }
0x69: {  	_ =	shalt  }
0x6a: {  	_ =	shalt  }
0x6b: {  	_ =	shalt  }
0x6c: {  	_ =	shalt  }
0x6d: {  	_ =	shalt  }
0x6e: {  	_ =	shalt  }
0x6f: {  	_ =	shalt  }
0x70: {  	_ =	shalt  }
0x71: {  	_ =	shalt  }
0x72: {  	_ =	shalt  }
0x73: {  	_ =	shalt  }
0x74: {  	_ =	shalt  }
0x75: {  	_ =	shalt  }
0x76: {  	_ =	shalt  }
0x77: {  	_ =	shalt  }
0x78: {  	_ =	shalt  }
0x79: {  	_ =	shalt  }
0x7a: {  	_ =	shalt  }
0x7b: {  	_ =	shalt  }
0x7c: {  	_ =	shalt  }
0x7d: {  	_ =	shalt  }
0x7e: {  	_ =	shalt  }
0x7f: {  	_ =	shalt  }
0x80: {  	_ =	shalt  }
0x81: {  	_ =	shalt  }
0x82: {  	_ =	shalt  }
0x83: {  	_ =	shalt  }
0x84: {  	_ =	shalt  }
0x85: {  	_ =	shalt  }
0x86: {  	_ =	shalt  }
0x87: {  	_ =	shalt  }
.Lfunc_end0:
.L_simem_size_0:
called_computation_lowered:
.L_overlay_start_0:
0x88: {  	s2 =	sld [smem:$0x3FD9]  }
0x89: {  	s3 =	sld [smem:$0x3FFE];
	_ =	sdelay $0x1  }
0x8a: {  	s1 =	srdreg.scid  }
0x8b: {  	s0 =	sand.u32 $0x1, s1  }
0x8c: {  	s16 =	sshll.u32 s0, $0xA;
	s2 =	sadd.s32 s3, s2  }
0x8d: {  	s2 =	sadd.s32 s2, s16  }
0x8e: {  	[smem:$0x3FBE] =	sst s2  }
0x8f: {  	_ = 	snop  }
0x90: {  	(tm) =	ssettm $0x1  }
0x91: {  	s17 =	sld [smem:$0x3FFB];
	_ =	sdelay $0x3  }
0x92: {  	_ =	strace s17  }
0x93: {  	s2 =	sld [smem:$0x3FFC];
	_ =	sdelay $0x3  }
0x94: {  	_ =	strace s2  }
0x95: {  	s2 =	sld [smem:$0x3FFD];
	_ =	sdelay $0x3  }
0x96: {  	_ =	strace s2  }
0x97: {  	_ =	strace $0x8FFFFFFF  }
0x98: {  	s18 =	sld [smem:$0x3FDB];
	_ =	sdelay $0x1  }
0x99: {  	s19 =	simm.s32 $_scs_section_size  }
0x9a: {  	s4 =	simm.s32 $_size__tile_overlayer_lowered;
	s5 =	simm.s32 $_tile_overlayer_lowered  }
0x9b: {  	s22 =	simm.s32 $0x1BFF;
	s21 =	sshll.u32 s5, $0x1;
	s2 =	sadd.s32 s19, s18  }
0x9c: {  	s6 =	simm.s32 $0x0;
	s20 =	sshll.u32 s4, $0x1;
	s4 =	sadd.s32 s21, s2  }
0x9d: {  	[timem:s6], [sflag:s22] =	dma.local [hbm:s4], s20  }
0x9e: {  	_ =	swait.ge [sflag:s22], s20  }
0x9f: {  	s3 =	ssub.s32 $0x0, s20;
	[sflag:s22] =	ssyncset.done $0x0  }
0xa0: {  	[sflag:s22] =	ssyncadd.s32 s3;
	_ =	sdelay $0x1  }
0xa1: {  	s23 =	simm.s32 $0x1B8B  }
0xa2: {  	_ =	swait.ge [sflag:s23], $0x1  }
0xa3: {  	[sflag:s23] =	ssyncset.done $0x0  }
0xa4: {  	s25 =	simm.s32 $0x1B8E;
	s24 =	sld [smem:$0x3FFE];
	[sflag:s23] =	ssyncadd.s32 $0xFFFFFFFF  }
0xa5: {  	s26 =	simm.s32 $execute0_lowered;
	[smem:$0x3FD2] =	sst s25  }
0xa6: {  	s4 =	sshll.u32 s26, $0x1;
	_ =	strace $0x80000046;
	[dreg:$0x1] =	wrdreg $0xFFFFFFFF  }
0xa7: {  	s28 =	simm.s32 $_size_execute0_lowered;
	s2 =	sadd.s32 s2, s4;
	[dreg:$0x0] =	wrdreg $0x0  }
0xa8: {  	s4 =	sshll.u32 s28, $0x1;
	[dreg:$0x2] =	wrdreg s2  }
0xa9: {  	[dreg:$0x3] =	wrdreg s4  }
0xaa: {  	[dreg:$0x4] =	wrdreg $0xC0  }
0xab: {  	_ =	task [dreg:s6], $0x5FFFF  }
0xac: {  	[dreg:$0x1] =	wrdreg $0xFFFFFFFF  }
0xad: {  	[dreg:$0x0] =	wrdreg $0x60  }
0xae: {  	[dreg:$0x2] =	wrdreg s24  }
0xaf: {  	[dreg:$0x3] =	wrdreg $0xAA000  }
0xb0: {  	[dreg:$0x4] =	wrdreg $0x9  }
0xb1: {  	_ =	task.clear_ibuf [dreg:s6], $0x5FFFF;
	_ =	strace $0x90000046  }
0xb2: {  	s29 =	simm.s32 $0x9;
	_ =	strace $0x80000048  }
0xb3: {  	_ =	swait.ge [sflag:s29], $0x1  }
0xb4: {  	[sflag:s29] =	ssyncadd.s32 $0xFFFFFFFF  }
0xb5: {  	_ =	strace $0x90000048  }
0xb6: {  	_ =	sfence  }
0xb7: {  	s30 =	sld [smem:$0x0];
	_ =	sdelay $0x2  }
0xb8: {  	s31 =	sshll.u32 s1, $0xD;
	s1 =	sshrl.u32 s1, $0x2  }
0xb9: {  	s3 =	sand.u32 $0x4000, s31;
	s1 =	sadd.s32 s1, s30  }
0xba: {  	s0 =	sor.u32 s3, s0;
	s1 =	sshll.u32 s1, $0x11  }
0xbb: {  	s0 =	sor.u32 s1, s0  }
0xbc: {  	s0 =	sadd.s32 $0x8F2B, s0  }
0xbd: {  	[sflag:s0] =	ssyncadd.remote.s32 $0x1  }
0xbe: {  	_ =	sfence.sel $0xFFFF  }
0xbf: {  	[dreg:$0x0] =	wrdreg $0xFFFFFFFF;
	(pc) =	sbr.abs _section_cstart, $3  }
0xc0: {  	[dreg:$0x1] =	wrdreg $0xFFFFFFFF  }
0xc1: {  	_ =	task.clear_ibuf [dreg:s6], $0x2FFFF;
	_ =	strace $0x9FFFFFFF  }
0xc2: {  	(tm) =	ssettm $0x7FFFFFFF  }
0xc3: {  	_ =	shalt  }
tec
execute0_lowered:
.L_overlay_start_1:
0x0: {  	(tag) =	ssettag $0x1  }
0x1: {  	s0 =	rddreg [dreg:$0x0]  }
0x2: {  	s1 =	rddreg [dreg:$0x1];
	s3 =	simm.s32 $0x0;
	s2 =	srdreg.scid  }
0x3: {  	s19 =	stileid.u32;
	s28 =	simm.s32 $0x2;
	s30 =	simm.s32 $0x0  }
0x4: {  	[smem:$0x7FF] =	sst s3;
	s8 =	sand.u32 $0x1, s2;
	s6 =	smul.u32 $0x14000, s19  }
0x5: {  	s4 =	sadd.s32 $0x14E00, s0;
	s18 =	sadd.s32 $0xE00, s0;
	s24 =	smul.u32 $0x50000, s19  }
0x6: {  	s7 =	sshll.u32 s19, $0x1;
	s21 =	sshrl.u32 s19, $0x2;
	s13 =	smul.u32 $0x5000, s19  }
0x7: {  	s17 =	sadd.s32 $0xAE00, s0;
	s19 =	simm.s32 $0x100;
	s5 =	smul.u32 $0x140000, s8  }
0x8: {  	_ =	strace $0x80000047;
	s20 =	sor.u32 s8, s7;
	s7 =	smul.u32 $0x14000, s21  }
0x9: {  	s23 =	ssub.s32 $0x2, s8;
	s14 =	smul.u32 $0x2800, s8;
	s21 =	simm.s32 $0x80  }
0xa: {  	s9 =	sshll.u32 s20, $0x7;
	s11 =	sshrl.u32 s23, $0x1;
	s25 =	sshrl.u32 s24, $0x2  }
0xb: {  	s24 =	simm.s32 $0x4200;
	s5 =	sadd.s32 s6, s5;
	s22 =	sand.u32 $0x380, s9  }
0xc: {  	s6 =	smul.u32 $0x2800, s20;
	s11 =	ssub.s32 s23, s11;
	s31 =	sadd.s32 s14, s13  }
0xd: {  	s20 =	simm.s32 $0x3;
	s23 =	simm.s32 $0x4180;
	s5 =	sshrl.u32 s5, $0x3  }
0xe: {  	s15 =	sor.u32 $0x100, s31;
	s10 =	sadd.s32 s5, s0;
	s5 =	sor.u32 s7, s22  }
0xf: {  	s26 =	sshrl.u32 s6, $0x3;
	s16 =	sshrl.u32 s15, $0x3;
	s22 =	simm.s32 $0x4100  }
0x10: {  	s5 =	sshrl.u32 s5, $0x3;
	s29 =	sadd.s32 s18, s26;
	s7 =	sadd.s32 s17, s26  }
0x11: {  	s8 =	sadd.s32 $0x46E00, s10;
	s10 =	smax.u32 s11, $0x1;
	s15 =	sadd.s32 s16, s17  }
0x12: {  	s16 =	sadd.s32 s16, s18;
	s26 =	simm.s32 $0x8200;
	s0 =	sadd.s32 s5, s0  }
0x13: {  	s5 =	sadd.s32 s25, s1;
	[dreg:$0x3] =	wrdreg s29;
	s25 =	simm.s32 $0x1  }
0x14: {  	s9 =	sadd.s32 $0x3CE00, s0;
	s11 =	sadd.s32 $0x4000, s5;
	s0 =	sor.u32 $0x80, s31  }
0x15: {  	s12 =	sadd.s32 $0x8000, s5;
	s13 =	sadd.s32 $0xC000, s5;
	s0 =	sshrl.u32 s0, $0x3  }
0x16: {  	v0 =	vimm.f32 $0.0e+00;
	v1 =	vimm.f32 $1.000000000e+00;
	s14 =	sadd.s32 $0x10000, s5;
	s17 =	sadd.s32 s0, s17;
	s18 =	sadd.s32 s0, s18  }
.LBB2_1:
0x17: {  	s31 =	simm.s32 $0x0;
	s0 =	simm.s32 $0x200  }
.LBB2_2:
0x18: {  	p0 =	sne.s32 s0, $0xFE00;
	[tilespmem:s31+$0x170] =	vst v0  }
0x19: {  	[tilespmem:s31+$0x100] =	vst v0  }
0x1a: {  	[tilespmem:s31+$0x110] =	vst v0  }
.Ltmp0:
0x1b: {  	[tilespmem:s31+$0x120] =	vst v0;
	(pc) =	sbr.rel @p0 .LBB2_2-.Ltmp0, $4  }
0x1c: {  	[tilespmem:s31+$0x130] =	vst v0  }
0x1d: {  	[tilespmem:s31+$0x140] =	vst v0  }
0x1e: {  	[tilespmem:s31+$0x150] =	vst v0  }
0x1f: {  	[tilespmem:s31+$0x160] =	vst v0;
	s31 =	sshra.s32 s0, $0x2;
	s0 =	sadd.s32 $0x200, s0  }
0x20: {  	[tilespmem:s31+$0x170] =	vst v0  }
0x21: {  	[tilespmem:s31+$0x100] =	vst v0  }
0x22: {  	[tilespmem:s31+$0x110] =	vst v0  }
0x23: {  	[tilespmem:s31+$0x120] =	vst v0  }
0x24: {  	[tilespmem:s31+$0x130] =	vst v0  }
0x25: {  	[tilespmem:s31+$0x140] =	vst v0  }
0x26: {  	[tilespmem:s31+$0x150] =	vst v0  }
0x27: {  	[tilespmem:s31+$0x160] =	vst v0;
	s0 =	simm.s32 $0x40;
	s31 =	simm.s32 $0x0  }
.LBB2_4:
0x28: {  	p0 =	sne.s32 s0, $0x9FC0;
	[tilespmem:s31+$0x8200] =	vst v0;
	s31 =	smov.u32 s0;
	s0 =	sadd.s32 $0x40, s0  }
.Ltmp1:
0x29: {  	(pc) =	sbr.rel @p0 .LBB2_4-.Ltmp1, $2  }
0x2a: {  	_ =	sdelay $0x2  }
0x2b: {  	s31 =	sshra.s32 s31, $0x2  }
0x2c: {  	[tilespmem:s31+$0x8200] =	vst v0  }
0x2d: {  	[spmem:s5] =	stream.linear.scatter [tilespmem:s19], [sflag:$0x3], $0x4000, $0x38;
	[tilespmem:$0x1EA00] =	vst v63  }
0x2e: {  	_ =	swait.ge [sflag:s20], $0x4000  }
0x2f: {  	[sflag:s20] =	ssyncset.done $0x0  }
0x30: {  	[sflag:s20] =	ssyncadd.s32 $0xFFFFC000  }
0x31: {  	[spmem:s11] =	stream.linear.scatter [tilespmem:s19], [sflag:$0x3], $0x4000, $0x38;
	[tilespmem:$0x1EA00] =	vst v63  }
0x32: {  	_ =	swait.ge [sflag:s20], $0x4000  }
0x33: {  	[sflag:s20] =	ssyncset.done $0x0  }
0x34: {  	[sflag:s20] =	ssyncadd.s32 $0xFFFFC000  }
0x35: {  	[spmem:s12] =	stream.linear.scatter [tilespmem:s19], [sflag:$0x3], $0x4000, $0x38;
	[tilespmem:$0x1EA00] =	vst v63  }
0x36: {  	_ =	swait.ge [sflag:s20], $0x4000  }
0x37: {  	[sflag:s20] =	ssyncset.done $0x0  }
0x38: {  	[sflag:s20] =	ssyncadd.s32 $0xFFFFC000  }
0x39: {  	[spmem:s13] =	stream.linear.scatter [tilespmem:s19], [sflag:$0x3], $0x4000, $0x38;
	[tilespmem:$0x1EA00] =	vst v63  }
0x3a: {  	_ =	swait.ge [sflag:s20], $0x4000  }
0x3b: {  	[sflag:s20] =	ssyncset.done $0x0  }
0x3c: {  	[sflag:s20] =	ssyncadd.s32 $0xFFFFC000  }
0x3d: {  	[spmem:s14] =	stream.linear.scatter [tilespmem:s19], [sflag:$0x3], $0x4000, $0x38;
	[tilespmem:$0x1EA00] =	vst v63  }
0x3e: {  	_ =	swait.ge [sflag:s20], $0x4000  }
0x3f: {  	[sflag:s20] =	ssyncset.done $0x0  }
0x40: {  	[sflag:s20] =	ssyncadd.s32 $0xFFFFC000  }
0x41: {  	[bflag:$0x0] =	sbarrier.arrive $0xFFFF  }
0x42: {  	s31 =	simm.s32 $0x0;
	s0 =	rddreg [dreg:$0x3]  }
0x43: {  	[tilespmem:s31], [sflag:$0x3] =	stream.linear.gather [hbm4b:s0+s31], $0x80, $0x38;
	[tilespmem:$0x1EA00] =	vst v63  }
0x44: {  	_ =	swait.ge [sflag:s20], $0x80  }
0x45: {  	[sflag:s20] =	ssyncset.done $0x0  }
0x46: {  	[sflag:s20] =	ssyncadd.s32 $0xFFFFFF80  }
0x47: {  	[tilespmem:s21], [sflag:$0x3] =	stream.linear.gather [hbm4b:s7+s31], $0x80, $0x38;
	[tilespmem:$0x1EA00] =	vst v63  }
0x48: {  	_ =	swait.ge [sflag:s20], $0x80  }
0x49: {  	[sflag:s20] =	ssyncset.done $0x0  }
0x4a: {  	[sflag:s20] =	ssyncadd.s32 $0xFFFFFF80  }
0x4b: {  	[tilespmem:s19], [sflag:$0x1] =	stream.indirect.gather [hbm4b:s4+s21], $0x80, s31, s21, $0xb8;
	[tilespmem:$0x1EA00] =	vst v63  }
.LBB2_6:
0x4c: {  	s0 =	sadd.s32 s31, s18  }
0x4d: {  	[tilespmem:s22], [sflag:$0x3] =	stream.linear.gather [hbm4b:s0+s3], $0x80, $0x38;
	[tilespmem:$0x1EA00] =	vst v63  }
0x4e: {  	_ =	swait.ge [sflag:s20], $0x80  }
0x4f: {  	[sflag:s20] =	ssyncset.done $0x0  }
0x50: {  	s29 =	sadd.s32 s31, s17;
	[sflag:s20] =	ssyncadd.s32 $0xFFFFFF80  }
0x51: {  	[tilespmem:s23], [sflag:$0x3] =	stream.linear.gather [hbm4b:s29+s3], $0x80, $0x38;
	[tilespmem:$0x1EA00] =	vst v63  }
0x52: {  	_ =	swait.ge [sflag:s20], $0x80  }
0x53: {  	[sflag:s20] =	ssyncset.done $0x0  }
0x54: {  	[sflag:s20] =	ssyncadd.s32 $0xFFFFFF80  }
0x55: {  	[tilespmem:s24], [sflag:$0x2] =	stream.indirect.gather [hbm4b:s4+s21], $0x80, s22, s21, $0xb8;
	[tilespmem:$0x1EA00] =	vst v63  }
0x56: {  	_ =	swait.ge [sflag:s25], $0x4000  }
0x57: {  	[sflag:s25] =	ssyncset.done $0x0  }
0x58: {  	[sflag:s25] =	ssyncadd.s32 $0xFFFFC000  }
0x59: {  	[spmem:s1] =	stream.indirect.scatter.add.f32 [tilespmem:s19], [sflag:$0x3], $0x80, s21, s21, $0xb8;
	[tilespmem:$0x1EA00] =	vst v63  }
0x5a: {  	_ =	swait.ge [sflag:s20], $0x4000  }
0x5b: {  	[sflag:s20] =	ssyncset.done $0x0  }
0x5c: {  	[sflag:s20] =	ssyncadd.s32 $0xFFFFC000  }
0x5d: {  	v2 =	vld [tilespmem:$0x80];
	_ =	sdelay $0x7  }
0x5e: {  	[tilespmem:v2+s26+$0x0] =	vst.idx.add.f32.msk $0xffff, v1  }
0x5f: {  	v2 =	vld [tilespmem:$0x90];
	_ =	sdelay $0x7  }
0x60: {  	[tilespmem:v2+s26+$0x0] =	vst.idx.add.f32.msk $0xffff, v1  }
0x61: {  	v2 =	vld [tilespmem:$0xA0];
	_ =	sdelay $0x7  }
0x62: {  	[tilespmem:v2+s26+$0x0] =	vst.idx.add.f32.msk $0xffff, v1  }
0x63: {  	v2 =	vld [tilespmem:$0xB0];
	_ =	sdelay $0x7  }
0x64: {  	[tilespmem:v2+s26+$0x0] =	vst.idx.add.f32.msk $0xffff, v1  }
0x65: {  	v2 =	vld [tilespmem:$0xC0];
	_ =	sdelay $0x7  }
0x66: {  	[tilespmem:v2+s26+$0x0] =	vst.idx.add.f32.msk $0xffff, v1  }
0x67: {  	v2 =	vld [tilespmem:$0xD0];
	_ =	sdelay $0x7  }
0x68: {  	[tilespmem:v2+s26+$0x0] =	vst.idx.add.f32.msk $0xffff, v1  }
0x69: {  	v2 =	vld [tilespmem:$0xE0];
	_ =	sdelay $0x7  }
0x6a: {  	[tilespmem:v2+s26+$0x0] =	vst.idx.add.f32.msk $0xffff, v1  }
0x6b: {  	v2 =	vld [tilespmem:$0xF0];
	_ =	sdelay $0x6  }
0x6c: {  	p0 =	seq.s32 s31, $0x4E0  }
0x6d: {  	s0 =	sadd.s32 @!p0 s31, s16;
	s2 =	simm.s32 @!p0 $0x0;
	[tilespmem:v2+s26+$0x0] =	vst.idx.add.f32.msk $0xffff, v1  }
0x6e: {  	[tilespmem:s2], [sflag:$0x3] =	stream.linear.gather @!p0 [hbm4b:s0+s2], $0x80, $0x38;
	[tilespmem:$0x1EA00] =	vst v63  }
0x6f: {  	s0 =	simm.s32 @!p0 $0x3  }
0x70: {  	_ =	swait.ge @!p0 [sflag:s0], $0x80  }
0x71: {  	[sflag:s0] =	ssyncset.done @!p0 $0x0  }
0x72: {  	s6 =	simm.s32 @!p0 $0x80;
	s29 =	sadd.s32 @!p0 s31, s15;
	[sflag:s0] =	ssyncadd.s32 @!p0 $0xFFFFFF80  }
0x73: {  	[tilespmem:s6], [sflag:$0x3] =	stream.linear.gather @!p0 [hbm4b:s29+s2], $0x80, $0x38;
	[tilespmem:$0x1EA00] =	vst v63  }
0x74: {  	_ =	swait.ge @!p0 [sflag:s0], $0x80  }
0x75: {  	[sflag:s0] =	ssyncset.done @!p0 $0x0  }
0x76: {  	[sflag:s0] =	ssyncadd.s32 @!p0 $0xFFFFFF80;
	s0 =	simm.s32 @!p0 $0x100  }
0x77: {  	[tilespmem:s0], [sflag:$0x1] =	stream.indirect.gather @!p0 [hbm4b:s4+s6], $0x80, s2, s6, $0xb8;
	[tilespmem:$0x1EA00] =	vst v63  }
0x78: {  	_ =	swait.ge [sflag:s28], $0x4000  }
0x79: {  	[sflag:s28] =	ssyncset.done $0x0  }
0x7a: {  	[sflag:s28] =	ssyncadd.s32 $0xFFFFC000  }
0x7b: {  	[spmem:s1] =	stream.indirect.scatter.add.f32 [tilespmem:s24], [sflag:$0x3], $0x80, s23, s21, $0xb8;
	[tilespmem:$0x1EA00] =	vst v63  }
0x7c: {  	_ =	swait.ge [sflag:s20], $0x4000  }
0x7d: {  	[sflag:s20] =	ssyncset.done $0x0  }
0x7e: {  	[sflag:s20] =	ssyncadd.s32 $0xFFFFC000  }
0x7f: {  	v2 =	vld [tilespmem:$0x4180];
	_ =	sdelay $0x7  }
0x80: {  	[tilespmem:v2+s26+$0x0] =	vst.idx.add.f32.msk $0xffff, v1  }
0x81: {  	v2 =	vld [tilespmem:$0x4190];
	_ =	sdelay $0x7  }
0x82: {  	[tilespmem:v2+s26+$0x0] =	vst.idx.add.f32.msk $0xffff, v1  }
0x83: {  	v2 =	vld [tilespmem:$0x41A0];
	_ =	sdelay $0x7  }
0x84: {  	[tilespmem:v2+s26+$0x0] =	vst.idx.add.f32.msk $0xffff, v1  }
0x85: {  	v2 =	vld [tilespmem:$0x41B0];
	_ =	sdelay $0x7  }
0x86: {  	[tilespmem:v2+s26+$0x0] =	vst.idx.add.f32.msk $0xffff, v1  }
0x87: {  	v2 =	vld [tilespmem:$0x41C0];
	_ =	sdelay $0x7  }
0x88: {  	[tilespmem:v2+s26+$0x0] =	vst.idx.add.f32.msk $0xffff, v1  }
0x89: {  	v2 =	vld [tilespmem:$0x41D0];
	_ =	sdelay $0x7  }
0x8a: {  	[tilespmem:v2+s26+$0x0] =	vst.idx.add.f32.msk $0xffff, v1  }
0x8b: {  	v2 =	vld [tilespmem:$0x41E0];
	_ =	sdelay $0x7  }
0x8c: {  	[tilespmem:v2+s26+$0x0] =	vst.idx.add.f32.msk $0xffff, v1  }
0x8d: {  	v2 =	vld [tilespmem:$0x41F0];
	_ =	sdelay $0x1  }
0x8e: {  	s31 =	sadd.s32 $0x20, s31  }
0x8f: {  	p0 =	sne.s32 s31, $0x500  }
.Ltmp2:
0x90: {  	_ = 	snop;
	(pc) =	sbr.rel @p0 .LBB2_6-.Ltmp2, $2  }
0x91: {  	_ =	sdelay $0x2  }
0x92: {  	[tilespmem:v2+s26+$0x0] =	vst.idx.add.f32.msk $0xffff, v1  }
0x93: {  	s0 =	stileid.u32  }
0x94: {  	s0 =	sshll.u32 s0, $0x6  }
0x95: {  	[bflag:$0x0] =	sbarrier.arrive $0xFFFF;
	s2 =	sshrl.u32 s5, $0x3;
	s0 =	sor.u32 $0x1C03, s0  }
0x96: {  	[hbm:s8], [sflag:s0] =	dma.local [spmem:s2], $0x2800  }
0x97: {  	s30 =	sadd.s32 $0x1, s30;
	_ =	swait.ge [sflag:s20], $0x2800  }
0x98: {  	p0 =	sne.s32 s30, s10;
	[sflag:s20] =	ssyncset.done $0x0  }
.Ltmp3:
0x99: {  	s31 =	simm.s32 $0x400;
	[sflag:s20] =	ssyncadd.s32 $0xFFFFD800;
	(pc) =	sbr.rel @p0 .LBB2_1-.Ltmp3, $4  }
0x9a: {  	[hbm4b:s9+s21] =	stream.strided.scatter [tilespmem:s26], [sflag:$0x3], $0x2800, s31, s21, $0x38;
	[tilespmem:$0x1EA00] =	vst v63  }
0x9b: {  	_ =	swait.ge [sflag:s20], $0x2800  }
0x9c: {  	[sflag:s20] =	ssyncset.done $0x0  }
0x9d: {  	[sflag:s20] =	ssyncadd.s32 $0xFFFFD800  }
0x9e: {  	_ =	sfence.sel $0x180000  }
0x9f: {  	[bflag:$0x0] =	sbarrier.arrive $0xFFFF  }
0xa0: {  	_ =	strace $0x90000047  }
0xa1: {  	s0 =	stileid.u32;
	[bflag:$0x2] =	sbarrier.arrive $0xFFFF  }
0xa2: {  	p0 =	sne.s32 s0, $0x0;
	s0 =	rddreg [dreg:$0x2]  }
0xa3: {  	s0 =	sadd.s32 @!p0 $0x100000, s0  }
0xa4: {  	[sflag:s0] =	ssyncadd.tile.s32 @!p0 $0x1;
	_ =	shalt  }
.Lfunc_end2:
_tile_overlayer_lowered:
.L_overlay_start_2:
0xa5: {  	(tag) =	ssettag $0x2  }
0xa6: {  	s0 =	rddreg [dreg:$0x0];
	s2 =	stileid.u32  }
0xa7: {  	s1 =	rddreg [dreg:$0x1];
	p0 =	sne.s32 s2, $0x0  }
0xa8: {  	s3 =	rddreg [dreg:$0x2];
	[bflag:$0x3] =	sbarrier.arrive $0xFFFF;
	s2 =	simm.s32 @!p0 $0x1C03  }
0xa9: {  	[timem:s3], [sflag:s2] =	dma.local @!p0 [hbm:s0], s1  }
0xaa: {  	s0 =	simm.s32 @!p0 $0x3  }
0xab: {  	_ =	swait.ge @!p0 [sflag:s0], s1  }
0xac: {  	s1 =	ssub.s32 @!p0 $0x0, s1;
	[sflag:s0] =	ssyncset.done @!p0 $0x0  }
0xad: {  	[sflag:s0] =	ssyncadd.s32 @!p0 s1  }
0xae: {  	[bflag:$0x3] =	sbarrier.arrive $0xFFFF  }
0xaf: {  	_ =	shalt  }

// kernel: kernel.9.cloned.1.call-start
scs
__scs_entry_jumppad:
0x0: {  	(pc) =	sbr.rel $0x88, $3  }
0x1: {  	(tag) =	ssettag $0x0;
	lr =	simm.s32 $0x1  }
0x2: {  	[smem:$0x3F97] =	sst lr;
	_ =	strace $0xD0000000  }
0x3: {  	_ = 	snop  }
0x4: {  	_ = 	snop  }
0x5: {  	_ = 	snop  }
0x6: {  	_ = 	snop  }
0x7: {  	_ = 	snop  }
__scs_overlays_trampoline_lowered:
0x8: {  	[smem:$0x3FA6] =	sst s0  }
0x9: {  	[smem:$0x3FA7] =	sst s1  }
0xa: {  	[smem:$0x3FA8] =	sst s2  }
0xb: {  	[smem:$0x3FA9] =	sst s3  }
0xc: {  	[smem:$0x3FAA] =	sst s4  }
0xd: {  	[smem:$0x3FAB] =	sst s5  }
0xe: {  	[smem:$0x3FAC] =	sst s6  }
0xf: {  	[smem:$0x3FAD] =	sst s7  }
0x10: {  	[smem:$0x3FAE] =	sst s8  }
0x11: {  	[smem:$0x3FAF] =	sst s9;
	s0 =	simm.s32 @!p0 $0x0  }
0x12: {  	s1 =	sld [smem:$0x3F95];
	s0 =	simm.s32 @p0 $0x1  }
0x13: {  	[smem:$0x3FB0] =	sst s0;
	s0 =	simm.s32 @!p1 $0x0  }
0x14: {  	s2 =	sld [smem:$0x3F94];
	s0 =	simm.s32 @p1 $0x1  }
0x15: {  	[smem:$0x3FB1] =	sst s0;
	s0 =	simm.s32 @!p2 $0x0  }
0x16: {  	s3 =	sld [smem:$0x3FDB];
	s0 =	simm.s32 @p2 $0x1  }
0x17: {  	s4 =	simm.s32 $0x1BF5;
	[smem:$0x3FB3] =	sst s0  }
0x18: {  	s0 =	sld [smem:$0x3F96];
	_ =	swait.ge [sflag:s4], $0x0  }
0x19: {  	s7 =	sld [smem:$0x3F97]  }
0x1a: {  	s8 =	sadd.s32 $0xFFFFE003, lr  }
0x1b: {  	s9 =	sadd.s32 $0xFFFFFEF7, lr;
	s5 =	simm.s32 $0xFFFFFFFF;
	p2 =	slt.u32 s8, $0xFFFFF086  }
0x1c: {  	p1 =	slt.u32 s9, $0xF7A;
	s5 =	simm.s32 @!p2 $0x0  }
0x1d: {  	s5 =	simm.s32 @p1 $0x1;
	p0 =	seq.s32 s7, s2  }
0x1e: {  	s7 =	smul.u32 @!p0 $0xF7A, s2;
	p2 =	seq.s32 @!p0 s5, $0x0  }
0x1f: {  	s9 =	smul.u32 $0xF7A, s1;
	s8 =	simm.s32 @!p0 $0x1BF5;
	p2 =	por !p2, p0  }
0x20: {  	[sflag:s8] =	ssyncset.s32 @!p0 $0xFFFFF086;
	s6 =	sadd.s32 @!p0 s3, s7;
	s7 =	simm.s32 @!p0 $0x108  }
0x21: {  	s3 =	sadd.s32 s3, s9;
	s6 =	sadd.s32 @!p0 $0x88, s6;
	s7 =	simm.s32 @p2 $0x1082  }
0x22: {  	[simem:s7], [sflag:s8] =	dma.local @!p0 [hbm:s6], $0xF7A  }
0x23: {  	s9 =	sor.u32 $0xD0000000, s2;
	s6 =	simm.s32 $0x108;
	_ =	swait.ge @!p0 [sflag:s8], $0x0  }
0x24: {  	s3 =	sadd.s32 $0x88, s3;
	s6 =	simm.s32 @!p1 $0x1082;
	[sflag:s4] =	ssyncset.s32 $0xFFFFF086  }
0x25: {  	[simem:s6], [sflag:s4] =	dma.local [hbm:s3], $0xF7A  }
0x26: {  	[smem:$0x3F97] =	sst s1;
	(tag) =	ssettag s2;
	_ =	strace s9  }
0x27: {  	s1 =	sld [smem:$0x3FA7]  }
0x28: {  	s2 =	sld [smem:$0x3FA8]  }
0x29: {  	s4 =	sld [smem:$0x3FAA]  }
0x2a: {  	p0 =	seq.s32 s5, $0x0;
	s5 =	sld [smem:$0x3FAB]  }
0x2b: {  	s6 =	sld [smem:$0x3FAC]  }
0x2c: {  	s7 =	sld [smem:$0x3FAD]  }
0x2d: {  	s3 =	simm.s32 $0x108;
	s8 =	sld [smem:$0x3FAE]  }
0x2e: {  	s3 =	simm.s32 @!p0 $0x1082;
	s9 =	sld [smem:$0x3FAF]  }
0x2f: {  	lr =	sadd.s32 s0, s3;
	s0 =	sld [smem:$0x3FA6]  }
0x30: {  	s3 =	sld [smem:$0x3FA9]  }
0x31: {  	[smem:$0x3FB2] =	sst s10  }
0x32: {  	s10 =	sld [smem:$0x3FB0];
	_ =	sdelay $0x3  }
0x33: {  	p0 =	seq.s32 s10, $0x1;
	s10 =	sld [smem:$0x3FB2];
	_ =	sdelay $0x3  }
0x34: {  	[smem:$0x3FB2] =	sst s10  }
0x35: {  	s10 =	sld [smem:$0x3FB1];
	_ =	sdelay $0x3  }
0x36: {  	p1 =	seq.s32 s10, $0x1;
	s10 =	sld [smem:$0x3FB2];
	_ =	sdelay $0x3  }
0x37: {  	[smem:$0x3FB2] =	sst s10  }
0x38: {  	s10 =	sld [smem:$0x3FB3]  }
0x39: {  	_ = 	snop;
	(pc) =	sbr.ind lr, $3  }
0x3a: {  	_ = 	snop  }
0x3b: {  	_ = 	snop  }
0x3c: {  	p2 =	seq.s32 s10, $0x1;
	s10 =	sld [smem:$0x3FB2]  }
0x3d: {  	_ =	shalt  }
0x3e: {  	_ =	shalt  }
0x3f: {  	_ =	shalt  }
0x40: {  	_ =	shalt  }
0x41: {  	_ =	shalt  }
0x42: {  	_ =	shalt  }
0x43: {  	_ =	shalt  }
0x44: {  	_ =	shalt  }
0x45: {  	_ =	shalt  }
0x46: {  	_ =	shalt  }
0x47: {  	_ =	shalt  }
0x48: {  	_ =	shalt  }
0x49: {  	_ =	shalt  }
0x4a: {  	_ =	shalt  }
0x4b: {  	_ =	shalt  }
0x4c: {  	_ =	shalt  }
0x4d: {  	_ =	shalt  }
0x4e: {  	_ =	shalt  }
0x4f: {  	_ =	shalt  }
0x50: {  	_ =	shalt  }
0x51: {  	_ =	shalt  }
0x52: {  	_ =	shalt  }
0x53: {  	_ =	shalt  }
0x54: {  	_ =	shalt  }
0x55: {  	_ =	shalt  }
0x56: {  	_ =	shalt  }
0x57: {  	_ =	shalt  }
0x58: {  	_ =	shalt  }
0x59: {  	_ =	shalt  }
0x5a: {  	_ =	shalt  }
0x5b: {  	_ =	shalt  }
0x5c: {  	_ =	shalt  }
0x5d: {  	_ =	shalt  }
0x5e: {  	_ =	shalt  }
0x5f: {  	_ =	shalt  }
0x60: {  	_ =	shalt  }
0x61: {  	_ =	shalt  }
0x62: {  	_ =	shalt  }
0x63: {  	_ =	shalt  }
0x64: {  	_ =	shalt  }
0x65: {  	_ =	shalt  }
0x66: {  	_ =	shalt  }
0x67: {  	_ =	shalt  }
0x68: {  	_ =	shalt  }
0x69: {  	_ =	shalt  }
0x6a: {  	_ =	shalt  }
0x6b: {  	_ =	shalt  }
0x6c: {  	_ =	shalt  }
0x6d: {  	_ =	shalt  }
0x6e: {  	_ =	shalt  }
0x6f: {  	_ =	shalt  }
0x70: {  	_ =	shalt  }
0x71: {  	_ =	shalt  }
0x72: {  	_ =	shalt  }
0x73: {  	_ =	shalt  }
0x74: {  	_ =	shalt  }
0x75: {  	_ =	shalt  }
0x76: {  	_ =	shalt  }
0x77: {  	_ =	shalt  }
0x78: {  	_ =	shalt  }
0x79: {  	_ =	shalt  }
0x7a: {  	_ =	shalt  }
0x7b: {  	_ =	shalt  }
0x7c: {  	_ =	shalt  }
0x7d: {  	_ =	shalt  }
0x7e: {  	_ =	shalt  }
0x7f: {  	_ =	shalt  }
0x80: {  	_ =	shalt  }
0x81: {  	_ =	shalt  }
0x82: {  	_ =	shalt  }
0x83: {  	_ =	shalt  }
0x84: {  	_ =	shalt  }
0x85: {  	_ =	shalt  }
0x86: {  	_ =	shalt  }
0x87: {  	_ =	shalt  }
.Lfunc_end0:
.L_simem_size_0:
called_computation.1_lowered:
.L_overlay_start_0:
0x88: {  	s2 =	sld [smem:$0x3FD9]  }
0x89: {  	s3 =	sld [smem:$0x3FFE];
	_ =	sdelay $0x1  }
0x8a: {  	s1 =	srdreg.scid  }
0x8b: {  	s0 =	sand.u32 $0x1, s1  }
0x8c: {  	s16 =	sshll.u32 s0, $0xA;
	s2 =	sadd.s32 s3, s2  }
0x8d: {  	s2 =	sadd.s32 s2, s16  }
0x8e: {  	[smem:$0x3FBE] =	sst s2  }
0x8f: {  	_ = 	snop  }
0x90: {  	(tm) =	ssettm $0x1  }
0x91: {  	s17 =	sld [smem:$0x3FFB];
	_ =	sdelay $0x3  }
0x92: {  	_ =	strace s17  }
0x93: {  	s2 =	sld [smem:$0x3FFC];
	_ =	sdelay $0x3  }
0x94: {  	_ =	strace s2  }
0x95: {  	s2 =	sld [smem:$0x3FFD];
	_ =	sdelay $0x3  }
0x96: {  	_ =	strace s2  }
0x97: {  	_ =	strace $0x8FFFFFFF  }
0x98: {  	s18 =	sld [smem:$0x3FDB];
	_ =	sdelay $0x1  }
0x99: {  	s19 =	simm.s32 $_scs_section_size  }
0x9a: {  	s4 =	simm.s32 $_size__tile_overlayer_lowered;
	s5 =	simm.s32 $_tile_overlayer_lowered  }
0x9b: {  	s22 =	simm.s32 $0x1BFF;
	s21 =	sshll.u32 s5, $0x1;
	s2 =	sadd.s32 s19, s18  }
0x9c: {  	s6 =	simm.s32 $0x0;
	s20 =	sshll.u32 s4, $0x1;
	s4 =	sadd.s32 s21, s2  }
0x9d: {  	[timem:s6], [sflag:s22] =	dma.local [hbm:s4], s20  }
0x9e: {  	_ =	swait.ge [sflag:s22], s20  }
0x9f: {  	s3 =	ssub.s32 $0x0, s20;
	[sflag:s22] =	ssyncset.done $0x0  }
0xa0: {  	[sflag:s22] =	ssyncadd.s32 s3;
	_ =	sdelay $0x1  }
0xa1: {  	s23 =	simm.s32 $0x1B8B  }
0xa2: {  	_ =	swait.ge [sflag:s23], $0x1  }
0xa3: {  	[sflag:s23] =	ssyncset.done $0x0  }
0xa4: {  	s25 =	simm.s32 $0x1B8E;
	s24 =	sld [smem:$0x3FFE];
	[sflag:s23] =	ssyncadd.s32 $0xFFFFFFFF  }
0xa5: {  	s26 =	simm.s32 $execute0_lowered;
	[smem:$0x3FD2] =	sst s25  }
0xa6: {  	s4 =	sshll.u32 s26, $0x1;
	_ =	strace $0x80000049;
	[dreg:$0x1] =	wrdreg $0xFFFFFFFF  }
0xa7: {  	s28 =	simm.s32 $_size_execute0_lowered;
	s2 =	sadd.s32 s2, s4;
	[dreg:$0x0] =	wrdreg $0x0  }
0xa8: {  	s4 =	sshll.u32 s28, $0x1;
	[dreg:$0x2] =	wrdreg s2  }
0xa9: {  	[dreg:$0x3] =	wrdreg s4  }
0xaa: {  	[dreg:$0x4] =	wrdreg $0xC0  }
0xab: {  	_ =	task [dreg:s6], $0x5FFFF  }
0xac: {  	[dreg:$0x1] =	wrdreg $0xFFFFFFFF  }
0xad: {  	[dreg:$0x0] =	wrdreg $0x60  }
0xae: {  	[dreg:$0x2] =	wrdreg s24  }
0xaf: {  	[dreg:$0x3] =	wrdreg $0x9  }
0xb0: {  	_ =	task.clear_ibuf [dreg:s6], $0x4FFFF;
	_ =	strace $0x90000049  }
0xb1: {  	s29 =	simm.s32 $0x9;
	_ =	strace $0x8000004B  }
0xb2: {  	_ =	swait.ge [sflag:s29], $0x1  }
0xb3: {  	[sflag:s29] =	ssyncadd.s32 $0xFFFFFFFF  }
0xb4: {  	_ =	strace $0x9000004B  }
0xb5: {  	_ =	sfence  }
0xb6: {  	s30 =	sld [smem:$0x0];
	_ =	sdelay $0x2  }
0xb7: {  	s31 =	sshll.u32 s1, $0xD;
	s1 =	sshrl.u32 s1, $0x2  }
0xb8: {  	s3 =	sand.u32 $0x4000, s31;
	s1 =	sadd.s32 s1, s30  }
0xb9: {  	s0 =	sor.u32 s3, s0;
	s1 =	sshll.u32 s1, $0x11  }
0xba: {  	s0 =	sor.u32 s1, s0  }
0xbb: {  	s0 =	sadd.s32 $0x8F2B, s0  }
0xbc: {  	[sflag:s0] =	ssyncadd.remote.s32 $0x1  }
0xbd: {  	_ =	sfence.sel $0xFFFF  }
0xbe: {  	[dreg:$0x0] =	wrdreg $0xFFFFFFFF;
	(pc) =	sbr.abs _section_cstart, $3  }
0xbf: {  	[dreg:$0x1] =	wrdreg $0xFFFFFFFF  }
0xc0: {  	_ =	task.clear_ibuf [dreg:s6], $0x2FFFF;
	_ =	strace $0x9FFFFFFF  }
0xc1: {  	(tm) =	ssettm $0x7FFFFFFF  }
tec
execute0_lowered:
.L_overlay_start_1:
0x0: {  	(tag) =	ssettag $0x1  }
0x1: {  	s1 =	srdreg.scid  }
0x2: {  	s0 =	stileid.u32;
	s4 =	rddreg [dreg:$0x0];
	s9 =	simm.s32 $0x5000  }
0x3: {  	s10 =	simm.s32 $0x7800;
	s11 =	simm.s32 $0x2800;
	s12 =	simm.s32 $0x80  }
0x4: {  	s13 =	simm.s32 $0x400;
	s14 =	simm.s32 $0x0;
	s5 =	sand.u32 $0x1, s1  }
0x5: {  	s2 =	sshll.u32 s0, $0x1;
	s1 =	rddreg [dreg:$0x1];
	s6 =	sshrl.u32 s0, $0x2  }
0x6: {  	s3 =	sor.u32 s5, s2;
	s2 =	simm.s32 $0x0;
	s6 =	smul.u32 $0x14000, s6  }
0x7: {  	s5 =	ssub.s32 $0x2, s5;
	s7 =	sshll.u32 s3, $0x7;
	[smem:$0x7FF] =	sst s2  }
0x8: {  	s8 =	smul.u32 $0x500, s3;
	s3 =	sadd.s32 $0x14E00, s4;
	s7 =	sand.u32 $0x380, s7  }
0x9: {  	s30 =	sshrl.u32 s5, $0x1;
	_ =	strace $0x8000004A;
	s6 =	sor.u32 s6, s7  }
0xa: {  	s31 =	ssub.s32 s5, s30;
	s29 =	sadd.s32 s8, s4;
	s6 =	sshrl.u32 s6, $0x3  }
0xb: {  	s7 =	smax.u32 s31, $0x1;
	s8 =	simm.s32 $0x1;
	s6 =	sadd.s32 s6, s4  }
0xc: {  	v0 =	vimm.f32 $0.0e+00;
	s5 =	sadd.s32 $0xAE00, s29;
	s4 =	sadd.s32 $0xE00, s29;
	s6 =	sadd.s32 $0x15400, s6  }
.LBB2_1:
0xd: {  	s15 =	simm.s32 $0x40;
	s16 =	simm.s32 $0x0  }
.LBB2_2:
0xe: {  	p0 =	sne.s32 s15, $0x9FC0;
	[tilespmem:s16+$0x2800] =	vst v0;
	s16 =	smov.u32 s15;
	s15 =	sadd.s32 $0x40, s15  }
.Ltmp0:
0xf: {  	(pc) =	sbr.rel @p0 .LBB2_2-.Ltmp0, $2  }
0x10: {  	_ =	sdelay $0x2  }
0x11: {  	s16 =	sshra.s32 s16, $0x2  }
0x12: {  	[tilespmem:s16+$0x2800] =	vst v0;
	s15 =	simm.s32 $0x0  }
0x13: {  	[tilespmem:s15], [sflag:$0x1] =	stream.linear.gather [hbm4b:s3+s15], $0x2800, $0x38;
	[tilespmem:$0xA000] =	vst v63  }
0x14: {  	_ =	swait.ge [sflag:s8], $0x2800  }
0x15: {  	[sflag:s8] =	ssyncset.done $0x0  }
0x16: {  	[sflag:s8] =	ssyncadd.s32 $0xFFFFD800  }
0x17: {  	[tilespmem:s9], [sflag:$0x1] =	stream.linear.gather [hbm4b:s4+s15], $0x2800, $0x38;
	[tilespmem:$0xA000] =	vst v63  }
0x18: {  	_ =	swait.ge [sflag:s8], $0x2800  }
0x19: {  	[sflag:s8] =	ssyncset.done $0x0  }
0x1a: {  	[sflag:s8] =	ssyncadd.s32 $0xFFFFD800  }
0x1b: {  	[tilespmem:s10], [sflag:$0x1] =	stream.linear.gather [hbm4b:s5+s15], $0x2800, $0x38;
	[tilespmem:$0xA000] =	vst v63  }
0x1c: {  	_ =	swait.ge [sflag:s8], $0x2800  }
0x1d: {  	[sflag:s8] =	ssyncset.done $0x0  }
0x1e: {  	[sflag:s8] =	ssyncadd.s32 $0xFFFFD800  }
.LBB2_4:
0x1f: {  	s16 =	sshra.s32 s15, $0x2  }
0x20: {  	v1 =	vld [tilespmem:s16+$0x5000];
	_ =	sdelay $0x4  }
0x21: {  	v2 =	vld [tilespmem:s16+$0x7800];
	_ =	sdelay $0x2  }
0x22: {  	v1 =	vld.idx.msk [tilespmem:v1+s2+$0x0], $0xffff;
	_ =	sdelay $0x4  }
0x23: {  	[tilespmem:v2+s11+$0x0] =	vst.idx.add.f32.msk $0xffff, v1  }
0x24: {  	v1 =	vld [tilespmem:s16+$0x5010];
	_ =	sdelay $0x4  }
0x25: {  	v2 =	vld [tilespmem:s16+$0x7810];
	_ =	sdelay $0x2  }
0x26: {  	v1 =	vld.idx.msk [tilespmem:v1+s2+$0x0], $0xffff;
	_ =	sdelay $0x4  }
0x27: {  	[tilespmem:v2+s11+$0x0] =	vst.idx.add.f32.msk $0xffff, v1  }
0x28: {  	v1 =	vld [tilespmem:s16+$0x5020];
	_ =	sdelay $0x4  }
0x29: {  	v2 =	vld [tilespmem:s16+$0x7820];
	_ =	sdelay $0x2  }
0x2a: {  	v1 =	vld.idx.msk [tilespmem:v1+s2+$0x0], $0xffff;
	_ =	sdelay $0x4  }
0x2b: {  	[tilespmem:v2+s11+$0x0] =	vst.idx.add.f32.msk $0xffff, v1  }
0x2c: {  	v1 =	vld [tilespmem:s16+$0x5030];
	_ =	sdelay $0x4  }
0x2d: {  	v2 =	vld [tilespmem:s16+$0x7830];
	_ =	sdelay $0x2  }
0x2e: {  	v1 =	vld.idx.msk [tilespmem:v1+s2+$0x0], $0xffff;
	_ =	sdelay $0x4  }
0x2f: {  	[tilespmem:v2+s11+$0x0] =	vst.idx.add.f32.msk $0xffff, v1  }
0x30: {  	v1 =	vld [tilespmem:s16+$0x5040];
	_ =	sdelay $0x4  }
0x31: {  	v2 =	vld [tilespmem:s16+$0x7840];
	_ =	sdelay $0x2  }
0x32: {  	v1 =	vld.idx.msk [tilespmem:v1+s2+$0x0], $0xffff;
	_ =	sdelay $0x4  }
0x33: {  	[tilespmem:v2+s11+$0x0] =	vst.idx.add.f32.msk $0xffff, v1  }
0x34: {  	v1 =	vld [tilespmem:s16+$0x5050];
	_ =	sdelay $0x4  }
0x35: {  	v2 =	vld [tilespmem:s16+$0x7850];
	_ =	sdelay $0x2  }
0x36: {  	v1 =	vld.idx.msk [tilespmem:v1+s2+$0x0], $0xffff;
	_ =	sdelay $0x4  }
0x37: {  	[tilespmem:v2+s11+$0x0] =	vst.idx.add.f32.msk $0xffff, v1  }
0x38: {  	v1 =	vld [tilespmem:s16+$0x5060];
	_ =	sdelay $0x4  }
0x39: {  	v2 =	vld [tilespmem:s16+$0x7860];
	_ =	sdelay $0x2  }
0x3a: {  	v1 =	vld.idx.msk [tilespmem:v1+s2+$0x0], $0xffff;
	_ =	sdelay $0x4  }
0x3b: {  	[tilespmem:v2+s11+$0x0] =	vst.idx.add.f32.msk $0xffff, v1  }
0x3c: {  	v1 =	vld [tilespmem:s16+$0x5070];
	_ =	sdelay $0x4  }
0x3d: {  	v2 =	vld [tilespmem:s16+$0x7870];
	_ =	sdelay $0x2  }
0x3e: {  	p0 =	sne.s32 s15, $0x9E00;
	v1 =	vld.idx.msk [tilespmem:v1+s2+$0x0], $0xffff  }
.Ltmp1:
0x3f: {  	_ = 	snop;
	(pc) =	sbr.rel @p0 .LBB2_4-.Ltmp1, $2  }
0x40: {  	_ =	sdelay $0x2  }
0x41: {  	s15 =	sadd.s32 $0x200, s15;
	[tilespmem:v2+s11+$0x0] =	vst.idx.add.f32.msk $0xffff, v1  }
0x42: {  	s14 =	sadd.s32 $0x1, s14  }
0x43: {  	p0 =	sne.s32 s14, s7  }
.Ltmp2:
0x44: {  	_ = 	snop;
	(pc) =	sbr.rel @p0 .LBB2_1-.Ltmp2, $4  }
0x45: {  	[hbm4b:s6+s12] =	stream.strided.scatter [tilespmem:s11], [sflag:$0x1], $0x2800, s13, s12, $0x38;
	[tilespmem:$0xA000] =	vst v63  }
0x46: {  	_ =	swait.ge [sflag:s8], $0x2800  }
0x47: {  	[sflag:s8] =	ssyncset.done $0x0  }
0x48: {  	[sflag:s8] =	ssyncadd.s32 $0xFFFFD800  }
0x49: {  	_ =	sfence.sel $0x180000  }
0x4a: {  	[bflag:$0x0] =	sbarrier.arrive $0xFFFF  }
0x4b: {  	p0 =	sne.s32 s0, $0x0;
	_ =	strace $0x9000004A  }
0x4c: {  	s0 =	sadd.s32 @!p0 $0x100000, s1;
	[bflag:$0x2] =	sbarrier.arrive $0xFFFF  }
0x4d: {  	[sflag:s0] =	ssyncadd.tile.s32 @!p0 $0x1;
	_ =	shalt  }
.Lfunc_end2:
_tile_overlayer_lowered:
.L_overlay_start_2:
0x4e: {  	(tag) =	ssettag $0x2  }
0x4f: {  	s0 =	rddreg [dreg:$0x0];
	s2 =	stileid.u32  }
0x50: {  	s1 =	rddreg [dreg:$0x1];
	p0 =	sne.s32 s2, $0x0  }
0x51: {  	s3 =	rddreg [dreg:$0x2];
	[bflag:$0x3] =	sbarrier.arrive $0xFFFF;
	s2 =	simm.s32 @!p0 $0x1C01  }
0x52: {  	[timem:s3], [sflag:s2] =	dma.local @!p0 [hbm:s0], s1  }
0x53: {  	s0 =	simm.s32 @!p0 $0x1  }
0x54: {  	_ =	swait.ge @!p0 [sflag:s0], s1  }
0x55: {  	s1 =	ssub.s32 @!p0 $0x0, s1;
	[sflag:s0] =	ssyncset.done @!p0 $0x0  }
0x56: {  	[sflag:s0] =	ssyncadd.s32 @!p0 s1  }
0x57: {  	[bflag:$0x3] =	sbarrier.arrive $0xFFFF  }
0x58: {  	_ =	shalt  }

</sc_bundles>
